<compile_context>
chip_gen: v7x
topology: tpu7x:2x2x1
jax: 0.10.2.dev20260603
libtpu: 0.0.44.dev20260713+nightly
codegen_flags: <defaults>
</compile_context>

<pallas_src>
import functools

import jax
import jax.numpy as jnp
from jax import lax
from jax.experimental import pallas as pl
from jax.experimental.pallas import tpu as pltpu
from jax.experimental.pallas import tpu_sc as plsc

BATCH = 4096
FIELDS = 26
EMBED_DIM = 32
NC = 2
NS = 16
NW = NC * NS
SPT = BATCH // NW
ROWS = SPT * FIELDS
NCHUNK = FIELDS

_mesh = plsc.VectorSubcoreMesh(core_axis_name="c", subcore_axis_name="s")


@functools.partial(
    pl.kernel,
    out_type=jax.ShapeDtypeStruct((BATCH,), jnp.float32),
    mesh=_mesh,
    scratch_types=[
        pltpu.VMEM((NCHUNK, SPT), jnp.int32),
        pltpu.VMEM((ROWS, EMBED_DIM), jnp.float32),
        pltpu.VMEM((ROWS,), jnp.float32),
        pltpu.VMEM((16 * SPT,), jnp.float32),
        pltpu.VMEM((SPT,), jnp.float32),
        pltpu.VMEM((16,), jnp.float32),
        pltpu.SemaphoreType.DMA,
    ],
    compiler_params=pltpu.CompilerParams(needs_layout_passes=False,
                                         use_tc_tiling_on_sc=False),
)
def _fm_sc(xr, lin, bias16, emb, out, idx_v, rows_v, lin_v, comb_v, out_v,
           bias_v, sem):
    wid = lax.axis_index("s") * NC + lax.axis_index("c")

    pltpu.sync_copy(xr.at[wid], idx_v)
    pltpu.sync_copy(bias16, bias_v)

    def fire(j, carry):
        pltpu.async_copy(emb.at[idx_v.at[j]], rows_v.at[pl.ds(j * SPT, SPT)], sem)
        pltpu.async_copy(lin.at[idx_v.at[j]], lin_v.at[pl.ds(j * SPT, SPT)], sem)
        return carry

    lax.fori_loop(0, NCHUNK, fire, 0)
    pltpu.make_async_copy(emb.at[pl.ds(0, ROWS)], rows_v, sem).wait()
    pltpu.make_async_copy(lin.at[pl.ds(0, ROWS)], lin_v, sem).wait()

    mask10 = jnp.where(lax.iota(jnp.int32, 16) < FIELDS - 16, 1.0, 0.0)
    iota16 = lax.iota(jnp.int32, 16)

    def sample(s, carry):
        r0 = s * FIELDS
        acc_lo = rows_v[r0, pl.ds(0, 16)]
        acc_hi = rows_v[r0, pl.ds(16, 16)]
        acc_sq = acc_lo * acc_lo + acc_hi * acc_hi
        for f in range(1, FIELDS):
            lo = rows_v[r0 + f, pl.ds(0, 16)]
            hi = rows_v[r0 + f, pl.ds(16, 16)]
            acc_lo = acc_lo + lo
            acc_hi = acc_hi + hi
            acc_sq = acc_sq + lo * lo + hi * hi
        l1 = lin_v[pl.ds(r0, 16)]
        l2 = lin_v[pl.ds(r0 + 16, 16)]
        combo = 0.5 * (acc_lo * acc_lo + acc_hi * acc_hi - acc_sq)
        combo = combo + l1 + l2 * mask10
        plsc.store_scatter(comb_v, [iota16 * SPT + s], combo)
        return carry

    lax.fori_loop(0, SPT, sample, 0)

    bias_vec = bias_v[pl.ds(0, 16)]
    for c in range(SPT // 16):
        z = comb_v[pl.ds(c * 16, 16)]
        for k in range(1, 16):
            z = z + comb_v[pl.ds(k * SPT + c * 16, 16)]
        z = z + bias_vec
        out_v[pl.ds(c * 16, 16)] = 1.0 / (1.0 + jnp.exp(-z))

    pltpu.sync_copy(out_v, out.at[pl.ds(wid * SPT, SPT)])


def kernel(x, linear_w, bias, embedding_w):
    xr = x.astype(jnp.int32).reshape(NW, NCHUNK, SPT)
    lin = linear_w.reshape(-1)
    bias16 = jnp.broadcast_to(bias.astype(jnp.float32), (16,))
    out = _fm_sc(xr, lin, bias16, embedding_w)
    return out.reshape(BATCH, 1)

# --- scband reference (transcript-rebuilt; emitter-appended) ---
"""Pipeline reference for scband-fmlayer-6330781794517 (READ-ONLY COPY).

The authoritative reference and input builder live on the scoring server;
editing this copy changes nothing except your own understanding.
"""

import jax, jax.numpy as jnp
import numpy as np

FEATURE_NUM = 1000000
EMBED_DIM = 32
BATCH = 4096
FIELDS = 26

def setup_inputs(seed: int = 0) -> dict:
    key = jax.random.key(seed)
    k1, k2, k3 = jax.random.split(key, 3)
    x = jax.random.randint(k1, (BATCH, FIELDS), 0, FEATURE_NUM, dtype=jnp.int64)
    linear_w = jax.random.normal(k2, (FEATURE_NUM, 1), dtype=jnp.float32) * 0.01
    embedding_w = jax.random.normal(k3, (FEATURE_NUM, EMBED_DIM), dtype=jnp.float32) * 0.01
    bias = jnp.zeros((1,), dtype=jnp.float32)
    return {"x": x, "linear_w": linear_w, "bias": bias, "embedding_w": embedding_w}

def reference(x, linear_w, bias, embedding_w):
    # linear part: gather [B, F, 1]
    linear_part = jnp.take(linear_w, x, axis=0)
    # embedding: gather [B, F, D]
    emb = jnp.take(embedding_w, x, axis=0)
    # first order: sum over fields -> [B, 1], plus bias
    first_order = jnp.sum(linear_part, axis=1) + bias
    # FM second order
    sum_square = jnp.sum(emb, axis=1) ** 2          # [B, D]
    square_sum = jnp.sum(emb ** 2, axis=1)          # [B, D]
    second_order = 0.5 * jnp.sum(sum_square - square_sum, axis=1, keepdims=True)  # [B, 1]
    out = jax.nn.sigmoid(first_order + second_order)
    return out

if __name__ == "__main__":
    import jax
    _d = setup_inputs()
    print(jax.jit(kernel)(*tuple(_d.values())))

</pallas_src>

<mosaic_0001>
#map = affine_map<(d0, d1) -> (0, 0, 0)>
#map1 = affine_map<(d0, d1) -> (0)>
#map2 = affine_map<(d0, d1) -> (0, 0)>
module attributes {stable_mosaic.version = 14 : i64} {
  func.func @_fm_sc(%arg0: i32, %arg1: i32, %arg2: memref<32x26x128xi32, #tpu.memory_space<hbm>>, %arg3: memref<1000000xf32, #tpu.memory_space<hbm>>, %arg4: memref<16xf32, #tpu.memory_space<hbm>>, %arg5: memref<1000000x32xf32, #tpu.memory_space<hbm>>, %arg6: memref<4096xf32, #tpu.memory_space<hbm>>, %arg7: memref<26x128xi32, #tpu.memory_space<vmem>>, %arg8: memref<3328x32xf32, #tpu.memory_space<vmem>>, %arg9: memref<3328xf32, #tpu.memory_space<vmem>>, %arg10: memref<2048xf32, #tpu.memory_space<vmem>>, %arg11: memref<128xf32, #tpu.memory_space<vmem>>, %arg12: memref<16xf32, #tpu.memory_space<vmem>>, %arg13: memref<!tpu.dma_semaphore, #tpu.memory_space<semaphore_mem>>) attributes {dimension_semantics = [#tpu.dimension_semantics<core_parallel>, #tpu.dimension_semantics<subcore_parallel>], iteration_bounds = array<i64: 2, 16>, scalar_prefetch = 0 : i64, scratch_operands = 7 : i64, tpu.core_type = #tpu.core_type<sc_vector_subcore>, window_params = [{transform_indices = #map}, {transform_indices = #map1}, {transform_indices = #map1}, {transform_indices = #map2}, {transform_indices = #map1}]} {
    %mul3A = arith.constant 2 : i32
    %mul3A_0 = arith.muli %arg1, %mul3A : i32
    %add3A = arith.addi %mul3A_0, %arg0 : i32
    "tpu.region"() ({
      %run_scoped3A = tpu.sem_alloc : memref<!tpu.dma_semaphore, #tpu.memory_space<semaphore_mem>>
      %dma_start3A = arith.constant 0 : i32
      %dma_start3A_505 = arith.constant 0 : i32
      %dma_start3A_506 = tpu.memref_slice %arg2[%add3A, %dma_start3A, %dma_start3A_505] : memref<32x26x128xi32, #tpu.memory_space<hbm>> -> memref<1x26x128xi32, #tpu.memory_space<hbm>>
      %dma_start3A_507 = tpu.memref_squeeze %dma_start3A_506 : memref<1x26x128xi32, #tpu.memory_space<hbm>> -> memref<26x128xi32, #tpu.memory_space<hbm>>
      %dma_start3A_508 = arith.constant 0 : i32
      %dma_start3A_509 = arith.constant 0 : i32
      %dma_start3A_510 = tpu.memref_slice %arg2[%add3A, %dma_start3A_508, %dma_start3A_509] : memref<32x26x128xi32, #tpu.memory_space<hbm>> -> memref<1x26x128xi32, #tpu.memory_space<hbm>>
      %dma_start3A_511 = tpu.memref_squeeze %dma_start3A_510 : memref<1x26x128xi32, #tpu.memory_space<hbm>> -> memref<26x128xi32, #tpu.memory_space<hbm>>
      tpu.enqueue_dma source(%dma_start3A_511 : memref<26x128xi32, #tpu.memory_space<hbm>>) target(%arg7 : memref<26x128xi32, #tpu.memory_space<vmem>>) target_semaphore(%run_scoped3A : memref<!tpu.dma_semaphore, #tpu.memory_space<semaphore_mem>>)
      %dma_wait3A_512 = arith.constant 0 : i32
      %dma_wait3A_513 = arith.constant 0 : i32
      %dma_wait3A_514 = tpu.memref_slice %arg2[%add3A, %dma_wait3A_512, %dma_wait3A_513] : memref<32x26x128xi32, #tpu.memory_space<hbm>> -> memref<1x26x128xi32, #tpu.memory_space<hbm>>
      %dma_wait3A_515 = tpu.memref_squeeze %dma_wait3A_514 : memref<1x26x128xi32, #tpu.memory_space<hbm>> -> memref<26x128xi32, #tpu.memory_space<hbm>>
      %dma_wait3A_516 = arith.constant 0 : i32
      %dma_wait3A_517 = arith.constant 0 : i32
      %dma_wait3A_518 = tpu.memref_slice %arg2[%add3A, %dma_wait3A_516, %dma_wait3A_517] : memref<32x26x128xi32, #tpu.memory_space<hbm>> -> memref<1x26x128xi32, #tpu.memory_space<hbm>>
      %dma_wait3A_519 = tpu.memref_squeeze %dma_wait3A_518 : memref<1x26x128xi32, #tpu.memory_space<hbm>> -> memref<26x128xi32, #tpu.memory_space<hbm>>
      tpu.wait_dma2 semaphore(%run_scoped3A : memref<!tpu.dma_semaphore, #tpu.memory_space<semaphore_mem>>) src(%dma_wait3A_519 : memref<26x128xi32, #tpu.memory_space<hbm>>) dst(%arg7 : memref<26x128xi32, #tpu.memory_space<vmem>>)
      tpu.yield
    }) : () -> ()
    "tpu.region"() ({
      %run_scoped3A = tpu.sem_alloc : memref<!tpu.dma_semaphore, #tpu.memory_space<semaphore_mem>>
      tpu.enqueue_dma source(%arg4 : memref<16xf32, #tpu.memory_space<hbm>>) target(%arg12 : memref<16xf32, #tpu.memory_space<vmem>>) target_semaphore(%run_scoped3A : memref<!tpu.dma_semaphore, #tpu.memory_space<semaphore_mem>>)
      tpu.wait_dma2 semaphore(%run_scoped3A : memref<!tpu.dma_semaphore, #tpu.memory_space<semaphore_mem>>) src(%arg4 : memref<16xf32, #tpu.memory_space<hbm>>) dst(%arg12 : memref<16xf32, #tpu.memory_space<vmem>>)
      tpu.yield
    }) : () -> ()
    %scan3A = arith.constant 0 : i32
    %scan3A_1 = arith.constant 0 : i32
    %scan3A_2 = arith.constant 26 : i32
    %scan3A_3 = arith.addi %scan3A_1, %scan3A_2 : i32
    %scan3A_4 = arith.constant 1 : i32
    scf.for %scan3A_505 = %scan3A_1 to %scan3A_3 step %scan3A_4  : i32 {
      %mul3A_506 = arith.constant 128 : i32
      %mul3A_507 = arith.muli %scan3A_505, %mul3A_506 : i32
      %dma_start3A = arith.constant 0 : i32
      %dma_start3A_508 = tpu.memref_slice %arg8[%mul3A_507, %dma_start3A] : memref<3328x32xf32, #tpu.memory_space<vmem>> -> memref<128x32xf32, #tpu.memory_space<vmem>>
      %dma_start3A_509 = arith.constant 0 : i32
      %dma_start3A_510 = tpu.memref_slice %arg7[%scan3A_505, %dma_start3A_509] : memref<26x128xi32, #tpu.memory_space<vmem>> -> memref<1x128xi32, #tpu.memory_space<vmem>>
      %dma_start3A_511 = tpu.memref_squeeze %dma_start3A_510 : memref<1x128xi32, #tpu.memory_space<vmem>> -> memref<128xi32, #tpu.memory_space<vmem>>
      %dma_start3A_512 = arith.constant 0 : i32
      %dma_start3A_513 = arith.constant 0 : i32
      %dma_start3A_514 = tpu.memref_slice %arg5[%dma_start3A_512, %dma_start3A_513] : memref<1000000x32xf32, #tpu.memory_space<hbm>> -> memref<1000000x32xf32, #tpu.memory_space<hbm>>
      tpu.enqueue_indirect_dma source(%dma_start3A_514 : memref<1000000x32xf32, #tpu.memory_space<hbm>>) target(%dma_start3A_508 : memref<128x32xf32, #tpu.memory_space<vmem>>) offsets(%dma_start3A_511 : memref<128xi32, #tpu.memory_space<vmem>>) semaphore(%arg13 : memref<!tpu.dma_semaphore, #tpu.memory_space<semaphore_mem>>)
      %mul3A_515 = arith.constant 128 : i32
      %mul3A_516 = arith.muli %scan3A_505, %mul3A_515 : i32
      %dma_start3A_517 = tpu.memref_slice %arg9[%mul3A_516] : memref<3328xf32, #tpu.memory_space<vmem>> -> memref<128xf32, #tpu.memory_space<vmem>>
      %dma_start3A_518 = arith.constant 0 : i32
      %dma_start3A_519 = tpu.memref_slice %arg7[%scan3A_505, %dma_start3A_518] : memref<26x128xi32, #tpu.memory_space<vmem>> -> memref<1x128xi32, #tpu.memory_space<vmem>>
      %dma_start3A_520 = tpu.memref_squeeze %dma_start3A_519 : memref<1x128xi32, #tpu.memory_space<vmem>> -> memref<128xi32, #tpu.memory_space<vmem>>
      %dma_start3A_521 = arith.constant 0 : i32
      %dma_start3A_522 = tpu.memref_slice %arg3[%dma_start3A_521] : memref<1000000xf32, #tpu.memory_space<hbm>> -> memref<1000000xf32, #tpu.memory_space<hbm>>
      tpu.enqueue_indirect_dma source(%dma_start3A_522 : memref<1000000xf32, #tpu.memory_space<hbm>>) target(%dma_start3A_517 : memref<128xf32, #tpu.memory_space<vmem>>) offsets(%dma_start3A_520 : memref<128xi32, #tpu.memory_space<vmem>>) semaphore(%arg13 : memref<!tpu.dma_semaphore, #tpu.memory_space<semaphore_mem>>)
    }
    %scan3A_5 = arith.constant 26 : i32
    %dma_wait3A = arith.constant 0 : i32
    %dma_wait3A_6 = arith.constant 0 : i32
    %dma_wait3A_7 = tpu.memref_slice %arg5[%dma_wait3A, %dma_wait3A_6] : memref<1000000x32xf32, #tpu.memory_space<hbm>> -> memref<3328x32xf32, #tpu.memory_space<hbm>>
    %dma_wait3A_8 = arith.constant 0 : i32
    %dma_wait3A_9 = arith.constant 0 : i32
    %dma_wait3A_10 = tpu.memref_slice %arg5[%dma_wait3A_8, %dma_wait3A_9] : memref<1000000x32xf32, #tpu.memory_space<hbm>> -> memref<3328x32xf32, #tpu.memory_space<hbm>>
    tpu.wait_dma2 semaphore(%arg13 : memref<!tpu.dma_semaphore, #tpu.memory_space<semaphore_mem>>) src(%dma_wait3A_10 : memref<3328x32xf32, #tpu.memory_space<hbm>>) dst(%arg8 : memref<3328x32xf32, #tpu.memory_space<vmem>>)
    %dma_wait3A_11 = arith.constant 0 : i32
    %dma_wait3A_12 = tpu.memref_slice %arg3[%dma_wait3A_11] : memref<1000000xf32, #tpu.memory_space<hbm>> -> memref<3328xf32, #tpu.memory_space<hbm>>
    %dma_wait3A_13 = arith.constant 0 : i32
    %dma_wait3A_14 = tpu.memref_slice %arg3[%dma_wait3A_13] : memref<1000000xf32, #tpu.memory_space<hbm>> -> memref<3328xf32, #tpu.memory_space<hbm>>
    tpu.wait_dma2 semaphore(%arg13 : memref<!tpu.dma_semaphore, #tpu.memory_space<semaphore_mem>>) src(%dma_wait3A_14 : memref<3328xf32, #tpu.memory_space<hbm>>) dst(%arg9 : memref<3328xf32, #tpu.memory_space<vmem>>)
    %iota3A = tpu.iota {dimensions = array<i32: 0>} : vector<16xi32>
    %lt3A = arith.constant 10 : i32
    %lt3A_15 = vector.broadcast %lt3A : i32 to vector<16xi32>
    %lt3A_16 = arith.cmpi slt, %iota3A, %lt3A_15 : vector<16xi32>
    %jit3A = arith.constant 1.000000e+00 : f32
    %jit3A_17 = arith.constant 0.000000e+00 : f32
    %broadcast_in_dim3A = vector.broadcast %jit3A : f32 to vector<16xf32>
    %broadcast_in_dim3A_18 = vector.broadcast %jit3A_17 : f32 to vector<16xf32>
    %select_n3A = arith.select %lt3A_16, %broadcast_in_dim3A, %broadcast_in_dim3A_18 : vector<16xi1>, vector<16xf32>
    %iota3A_19 = tpu.iota {dimensions = array<i32: 0>} : vector<16xi32>
    %scan3A_20 = arith.constant 0 : i32
    %scan3A_21 = arith.constant 0 : i32
    %scan3A_22 = arith.constant 128 : i32
    %scan3A_23 = arith.addi %scan3A_21, %scan3A_22 : i32
    %scan3A_24 = arith.constant 1 : i32
    scf.for %scan3A_505 = %scan3A_21 to %scan3A_23 step %scan3A_24  : i32 {
      %mul3A_506 = arith.constant 26 : i32
      %mul3A_507 = arith.muli %scan3A_505, %mul3A_506 : i32
      %get3A_508 = arith.index_cast %mul3A_507 : i32 to index
      %get3A_509 = arith.constant 0 : index
      %get3A_510 = tpu.vector_load %arg8[%get3A_508, %get3A_509] {strides = array<i32>} : memref<3328x32xf32, #tpu.memory_space<vmem>>, vector<16xf32>,
      %get3A_511 = arith.index_cast %mul3A_507 : i32 to index
      %get3A_512 = arith.constant 16 : index
      %get3A_513 = tpu.vector_load %arg8[%get3A_511, %get3A_512] {strides = array<i32>} : memref<3328x32xf32, #tpu.memory_space<vmem>>, vector<16xf32>,
      %mul3A_514 = arith.mulf %get3A_510, %get3A_510 : vector<16xf32>
      %mul3A_515 = arith.mulf %get3A_513, %get3A_513 : vector<16xf32>
      %add3A_516 = arith.addf %mul3A_514, %mul3A_515 : vector<16xf32>
      %add3A_517 = arith.constant 1 : i32
      %add3A_518 = arith.addi %mul3A_507, %add3A_517 : i32
      %get3A_519 = arith.index_cast %add3A_518 : i32 to index
      %get3A_520 = arith.constant 0 : index
      %get3A_521 = tpu.vector_load %arg8[%get3A_519, %get3A_520] {strides = array<i32>} : memref<3328x32xf32, #tpu.memory_space<vmem>>, vector<16xf32>,
      %add3A_522 = arith.constant 1 : i32
      %add3A_523 = arith.addi %mul3A_507, %add3A_522 : i32
      %get3A_524 = arith.index_cast %add3A_523 : i32 to index
      %get3A_525 = arith.constant 16 : index
      %get3A_526 = tpu.vector_load %arg8[%get3A_524, %get3A_525] {strides = array<i32>} : memref<3328x32xf32, #tpu.memory_space<vmem>>, vector<16xf32>,
      %add3A_527 = arith.addf %get3A_510, %get3A_521 : vector<16xf32>
      %add3A_528 = arith.addf %get3A_513, %get3A_526 : vector<16xf32>
      %mul3A_529 = arith.mulf %get3A_521, %get3A_521 : vector<16xf32>
      %add3A_530 = arith.addf %add3A_516, %mul3A_529 : vector<16xf32>
      %mul3A_531 = arith.mulf %get3A_526, %get3A_526 : vector<16xf32>
      %add3A_532 = arith.addf %add3A_530, %mul3A_531 : vector<16xf32>
      %add3A_533 = arith.constant 2 : i32
      %add3A_534 = arith.addi %mul3A_507, %add3A_533 : i32
      %get3A_535 = arith.index_cast %add3A_534 : i32 to index
      %get3A_536 = arith.constant 0 : index
      %get3A_537 = tpu.vector_load %arg8[%get3A_535, %get3A_536] {strides = array<i32>} : memref<3328x32xf32, #tpu.memory_space<vmem>>, vector<16xf32>,
      %add3A_538 = arith.constant 2 : i32
      %add3A_539 = arith.addi %mul3A_507, %add3A_538 : i32
      %get3A_540 = arith.index_cast %add3A_539 : i32 to index
      %get3A_541 = arith.constant 16 : index
      %get3A_542 = tpu.vector_load %arg8[%get3A_540, %get3A_541] {strides = array<i32>} : memref<3328x32xf32, #tpu.memory_space<vmem>>, vector<16xf32>,
      %add3A_543 = arith.addf %add3A_527, %get3A_537 : vector<16xf32>
      %add3A_544 = arith.addf %add3A_528, %get3A_542 : vector<16xf32>
      %mul3A_545 = arith.mulf %get3A_537, %get3A_537 : vector<16xf32>
      %add3A_546 = arith.addf %add3A_532, %mul3A_545 : vector<16xf32>
      %mul3A_547 = arith.mulf %get3A_542, %get3A_542 : vector<16xf32>
      %add3A_548 = arith.addf %add3A_546, %mul3A_547 : vector<16xf32>
      %add3A_549 = arith.constant 3 : i32
      %add3A_550 = arith.addi %mul3A_507, %add3A_549 : i32
      %get3A_551 = arith.index_cast %add3A_550 : i32 to index
      %get3A_552 = arith.constant 0 : index
      %get3A_553 = tpu.vector_load %arg8[%get3A_551, %get3A_552] {strides = array<i32>} : memref<3328x32xf32, #tpu.memory_space<vmem>>, vector<16xf32>,
      %add3A_554 = arith.constant 3 : i32
      %add3A_555 = arith.addi %mul3A_507, %add3A_554 : i32
      %get3A_556 = arith.index_cast %add3A_555 : i32 to index
      %get3A_557 = arith.constant 16 : index
      %get3A_558 = tpu.vector_load %arg8[%get3A_556, %get3A_557] {strides = array<i32>} : memref<3328x32xf32, #tpu.memory_space<vmem>>, vector<16xf32>,
      %add3A_559 = arith.addf %add3A_543, %get3A_553 : vector<16xf32>
      %add3A_560 = arith.addf %add3A_544, %get3A_558 : vector<16xf32>
      %mul3A_561 = arith.mulf %get3A_553, %get3A_553 : vector<16xf32>
      %add3A_562 = arith.addf %add3A_548, %mul3A_561 : vector<16xf32>
      %mul3A_563 = arith.mulf %get3A_558, %get3A_558 : vector<16xf32>
      %add3A_564 = arith.addf %add3A_562, %mul3A_563 : vector<16xf32>
      %add3A_565 = arith.constant 4 : i32
      %add3A_566 = arith.addi %mul3A_507, %add3A_565 : i32
      %get3A_567 = arith.index_cast %add3A_566 : i32 to index
      %get3A_568 = arith.constant 0 : index
      %get3A_569 = tpu.vector_load %arg8[%get3A_567, %get3A_568] {strides = array<i32>} : memref<3328x32xf32, #tpu.memory_space<vmem>>, vector<16xf32>,
      %add3A_570 = arith.constant 4 : i32
      %add3A_571 = arith.addi %mul3A_507, %add3A_570 : i32
      %get3A_572 = arith.index_cast %add3A_571 : i32 to index
      %get3A_573 = arith.constant 16 : index
      %get3A_574 = tpu.vector_load %arg8[%get3A_572, %get3A_573] {strides = array<i32>} : memref<3328x32xf32, #tpu.memory_space<vmem>>, vector<16xf32>,
      %add3A_575 = arith.addf %add3A_559, %get3A_569 : vector<16xf32>
      %add3A_576 = arith.addf %add3A_560, %get3A_574 : vector<16xf32>
      %mul3A_577 = arith.mulf %get3A_569, %get3A_569 : vector<16xf32>
      %add3A_578 = arith.addf %add3A_564, %mul3A_577 : vector<16xf32>
      %mul3A_579 = arith.mulf %get3A_574, %get3A_574 : vector<16xf32>
      %add3A_580 = arith.addf %add3A_578, %mul3A_579 : vector<16xf32>
      %add3A_581 = arith.constant 5 : i32
      %add3A_582 = arith.addi %mul3A_507, %add3A_581 : i32
      %get3A_583 = arith.index_cast %add3A_582 : i32 to index
      %get3A_584 = arith.constant 0 : index
      %get3A_585 = tpu.vector_load %arg8[%get3A_583, %get3A_584] {strides = array<i32>} : memref<3328x32xf32, #tpu.memory_space<vmem>>, vector<16xf32>,
      %add3A_586 = arith.constant 5 : i32
      %add3A_587 = arith.addi %mul3A_507, %add3A_586 : i32
      %get3A_588 = arith.index_cast %add3A_587 : i32 to index
      %get3A_589 = arith.constant 16 : index
      %get3A_590 = tpu.vector_load %arg8[%get3A_588, %get3A_589] {strides = array<i32>} : memref<3328x32xf32, #tpu.memory_space<vmem>>, vector<16xf32>,
      %add3A_591 = arith.addf %add3A_575, %get3A_585 : vector<16xf32>
      %add3A_592 = arith.addf %add3A_576, %get3A_590 : vector<16xf32>
      %mul3A_593 = arith.mulf %get3A_585, %get3A_585 : vector<16xf32>
      %add3A_594 = arith.addf %add3A_580, %mul3A_593 : vector<16xf32>
      %mul3A_595 = arith.mulf %get3A_590, %get3A_590 : vector<16xf32>
      %add3A_596 = arith.addf %add3A_594, %mul3A_595 : vector<16xf32>
      %add3A_597 = arith.constant 6 : i32
      %add3A_598 = arith.addi %mul3A_507, %add3A_597 : i32
      %get3A_599 = arith.index_cast %add3A_598 : i32 to index
      %get3A_600 = arith.constant 0 : index
      %get3A_601 = tpu.vector_load %arg8[%get3A_599, %get3A_600] {strides = array<i32>} : memref<3328x32xf32, #tpu.memory_space<vmem>>, vector<16xf32>,
      %add3A_602 = arith.constant 6 : i32
      %add3A_603 = arith.addi %mul3A_507, %add3A_602 : i32
      %get3A_604 = arith.index_cast %add3A_603 : i32 to index
      %get3A_605 = arith.constant 16 : index
      %get3A_606 = tpu.vector_load %arg8[%get3A_604, %get3A_605] {strides = array<i32>} : memref<3328x32xf32, #tpu.memory_space<vmem>>, vector<16xf32>,
      %add3A_607 = arith.addf %add3A_591, %get3A_601 : vector<16xf32>
      %add3A_608 = arith.addf %add3A_592, %get3A_606 : vector<16xf32>
      %mul3A_609 = arith.mulf %get3A_601, %get3A_601 : vector<16xf32>
      %add3A_610 = arith.addf %add3A_596, %mul3A_609 : vector<16xf32>
      %mul3A_611 = arith.mulf %get3A_606, %get3A_606 : vector<16xf32>
      %add3A_612 = arith.addf %add3A_610, %mul3A_611 : vector<16xf32>
      %add3A_613 = arith.constant 7 : i32
      %add3A_614 = arith.addi %mul3A_507, %add3A_613 : i32
      %get3A_615 = arith.index_cast %add3A_614 : i32 to index
      %get3A_616 = arith.constant 0 : index
      %get3A_617 = tpu.vector_load %arg8[%get3A_615, %get3A_616] {strides = array<i32>} : memref<3328x32xf32, #tpu.memory_space<vmem>>, vector<16xf32>,
      %add3A_618 = arith.constant 7 : i32
      %add3A_619 = arith.addi %mul3A_507, %add3A_618 : i32
      %get3A_620 = arith.index_cast %add3A_619 : i32 to index
      %get3A_621 = arith.constant 16 : index
      %get3A_622 = tpu.vector_load %arg8[%get3A_620, %get3A_621] {strides = array<i32>} : memref<3328x32xf32, #tpu.memory_space<vmem>>, vector<16xf32>,
      %add3A_623 = arith.addf %add3A_607, %get3A_617 : vector<16xf32>
      %add3A_624 = arith.addf %add3A_608, %get3A_622 : vector<16xf32>
      %mul3A_625 = arith.mulf %get3A_617, %get3A_617 : vector<16xf32>
      %add3A_626 = arith.addf %add3A_612, %mul3A_625 : vector<16xf32>
      %mul3A_627 = arith.mulf %get3A_622, %get3A_622 : vector<16xf32>
      %add3A_628 = arith.addf %add3A_626, %mul3A_627 : vector<16xf32>
      %add3A_629 = arith.constant 8 : i32
      %add3A_630 = arith.addi %mul3A_507, %add3A_629 : i32
      %get3A_631 = arith.index_cast %add3A_630 : i32 to index
      %get3A_632 = arith.constant 0 : index
      %get3A_633 = tpu.vector_load %arg8[%get3A_631, %get3A_632] {strides = array<i32>} : memref<3328x32xf32, #tpu.memory_space<vmem>>, vector<16xf32>,
      %add3A_634 = arith.constant 8 : i32
      %add3A_635 = arith.addi %mul3A_507, %add3A_634 : i32
      %get3A_636 = arith.index_cast %add3A_635 : i32 to index
      %get3A_637 = arith.constant 16 : index
      %get3A_638 = tpu.vector_load %arg8[%get3A_636, %get3A_637] {strides = array<i32>} : memref<3328x32xf32, #tpu.memory_space<vmem>>, vector<16xf32>,
      %add3A_639 = arith.addf %add3A_623, %get3A_633 : vector<16xf32>
      %add3A_640 = arith.addf %add3A_624, %get3A_638 : vector<16xf32>
      %mul3A_641 = arith.mulf %get3A_633, %get3A_633 : vector<16xf32>
      %add3A_642 = arith.addf %add3A_628, %mul3A_641 : vector<16xf32>
      %mul3A_643 = arith.mulf %get3A_638, %get3A_638 : vector<16xf32>
      %add3A_644 = arith.addf %add3A_642, %mul3A_643 : vector<16xf32>
      %add3A_645 = arith.constant 9 : i32
      %add3A_646 = arith.addi %mul3A_507, %add3A_645 : i32
      %get3A_647 = arith.index_cast %add3A_646 : i32 to index
      %get3A_648 = arith.constant 0 : index
      %get3A_649 = tpu.vector_load %arg8[%get3A_647, %get3A_648] {strides = array<i32>} : memref<3328x32xf32, #tpu.memory_space<vmem>>, vector<16xf32>,
      %add3A_650 = arith.constant 9 : i32
      %add3A_651 = arith.addi %mul3A_507, %add3A_650 : i32
      %get3A_652 = arith.index_cast %add3A_651 : i32 to index
      %get3A_653 = arith.constant 16 : index
      %get3A_654 = tpu.vector_load %arg8[%get3A_652, %get3A_653] {strides = array<i32>} : memref<3328x32xf32, #tpu.memory_space<vmem>>, vector<16xf32>,
      %add3A_655 = arith.addf %add3A_639, %get3A_649 : vector<16xf32>
      %add3A_656 = arith.addf %add3A_640, %get3A_654 : vector<16xf32>
      %mul3A_657 = arith.mulf %get3A_649, %get3A_649 : vector<16xf32>
      %add3A_658 = arith.addf %add3A_644, %mul3A_657 : vector<16xf32>
      %mul3A_659 = arith.mulf %get3A_654, %get3A_654 : vector<16xf32>
      %add3A_660 = arith.addf %add3A_658, %mul3A_659 : vector<16xf32>
      %add3A_661 = arith.constant 10 : i32
      %add3A_662 = arith.addi %mul3A_507, %add3A_661 : i32
      %get3A_663 = arith.index_cast %add3A_662 : i32 to index
      %get3A_664 = arith.constant 0 : index
      %get3A_665 = tpu.vector_load %arg8[%get3A_663, %get3A_664] {strides = array<i32>} : memref<3328x32xf32, #tpu.memory_space<vmem>>, vector<16xf32>,
      %add3A_666 = arith.constant 10 : i32
      %add3A_667 = arith.addi %mul3A_507, %add3A_666 : i32
      %get3A_668 = arith.index_cast %add3A_667 : i32 to index
      %get3A_669 = arith.constant 16 : index
      %get3A_670 = tpu.vector_load %arg8[%get3A_668, %get3A_669] {strides = array<i32>} : memref<3328x32xf32, #tpu.memory_space<vmem>>, vector<16xf32>,
      %add3A_671 = arith.addf %add3A_655, %get3A_665 : vector<16xf32>
      %add3A_672 = arith.addf %add3A_656, %get3A_670 : vector<16xf32>
      %mul3A_673 = arith.mulf %get3A_665, %get3A_665 : vector<16xf32>
      %add3A_674 = arith.addf %add3A_660, %mul3A_673 : vector<16xf32>
      %mul3A_675 = arith.mulf %get3A_670, %get3A_670 : vector<16xf32>
      %add3A_676 = arith.addf %add3A_674, %mul3A_675 : vector<16xf32>
      %add3A_677 = arith.constant 11 : i32
      %add3A_678 = arith.addi %mul3A_507, %add3A_677 : i32
      %get3A_679 = arith.index_cast %add3A_678 : i32 to index
      %get3A_680 = arith.constant 0 : index
      %get3A_681 = tpu.vector_load %arg8[%get3A_679, %get3A_680] {strides = array<i32>} : memref<3328x32xf32, #tpu.memory_space<vmem>>, vector<16xf32>,
      %add3A_682 = arith.constant 11 : i32
      %add3A_683 = arith.addi %mul3A_507, %add3A_682 : i32
      %get3A_684 = arith.index_cast %add3A_683 : i32 to index
      %get3A_685 = arith.constant 16 : index
      %get3A_686 = tpu.vector_load %arg8[%get3A_684, %get3A_685] {strides = array<i32>} : memref<3328x32xf32, #tpu.memory_space<vmem>>, vector<16xf32>,
      %add3A_687 = arith.addf %add3A_671, %get3A_681 : vector<16xf32>
      %add3A_688 = arith.addf %add3A_672, %get3A_686 : vector<16xf32>
      %mul3A_689 = arith.mulf %get3A_681, %get3A_681 : vector<16xf32>
      %add3A_690 = arith.addf %add3A_676, %mul3A_689 : vector<16xf32>
      %mul3A_691 = arith.mulf %get3A_686, %get3A_686 : vector<16xf32>
      %add3A_692 = arith.addf %add3A_690, %mul3A_691 : vector<16xf32>
      %add3A_693 = arith.constant 12 : i32
      %add3A_694 = arith.addi %mul3A_507, %add3A_693 : i32
      %get3A_695 = arith.index_cast %add3A_694 : i32 to index
      %get3A_696 = arith.constant 0 : index
      %get3A_697 = tpu.vector_load %arg8[%get3A_695, %get3A_696] {strides = array<i32>} : memref<3328x32xf32, #tpu.memory_space<vmem>>, vector<16xf32>,
      %add3A_698 = arith.constant 12 : i32
      %add3A_699 = arith.addi %mul3A_507, %add3A_698 : i32
      %get3A_700 = arith.index_cast %add3A_699 : i32 to index
      %get3A_701 = arith.constant 16 : index
      %get3A_702 = tpu.vector_load %arg8[%get3A_700, %get3A_701] {strides = array<i32>} : memref<3328x32xf32, #tpu.memory_space<vmem>>, vector<16xf32>,
      %add3A_703 = arith.addf %add3A_687, %get3A_697 : vector<16xf32>
      %add3A_704 = arith.addf %add3A_688, %get3A_702 : vector<16xf32>
      %mul3A_705 = arith.mulf %get3A_697, %get3A_697 : vector<16xf32>
      %add3A_706 = arith.addf %add3A_692, %mul3A_705 : vector<16xf32>
      %mul3A_707 = arith.mulf %get3A_702, %get3A_702 : vector<16xf32>
      %add3A_708 = arith.addf %add3A_706, %mul3A_707 : vector<16xf32>
      %add3A_709 = arith.constant 13 : i32
      %add3A_710 = arith.addi %mul3A_507, %add3A_709 : i32
      %get3A_711 = arith.index_cast %add3A_710 : i32 to index
      %get3A_712 = arith.constant 0 : index
      %get3A_713 = tpu.vector_load %arg8[%get3A_711, %get3A_712] {strides = array<i32>} : memref<3328x32xf32, #tpu.memory_space<vmem>>, vector<16xf32>,
      %add3A_714 = arith.constant 13 : i32
      %add3A_715 = arith.addi %mul3A_507, %add3A_714 : i32
      %get3A_716 = arith.index_cast %add3A_715 : i32 to index
      %get3A_717 = arith.constant 16 : index
      %get3A_718 = tpu.vector_load %arg8[%get3A_716, %get3A_717] {strides = array<i32>} : memref<3328x32xf32, #tpu.memory_space<vmem>>, vector<16xf32>,
      %add3A_719 = arith.addf %add3A_703, %get3A_713 : vector<16xf32>
      %add3A_720 = arith.addf %add3A_704, %get3A_718 : vector<16xf32>
      %mul3A_721 = arith.mulf %get3A_713, %get3A_713 : vector<16xf32>
      %add3A_722 = arith.addf %add3A_708, %mul3A_721 : vector<16xf32>
      %mul3A_723 = arith.mulf %get3A_718, %get3A_718 : vector<16xf32>
      %add3A_724 = arith.addf %add3A_722, %mul3A_723 : vector<16xf32>
      %add3A_725 = arith.constant 14 : i32
      %add3A_726 = arith.addi %mul3A_507, %add3A_725 : i32
      %get3A_727 = arith.index_cast %add3A_726 : i32 to index
      %get3A_728 = arith.constant 0 : index
      %get3A_729 = tpu.vector_load %arg8[%get3A_727, %get3A_728] {strides = array<i32>} : memref<3328x32xf32, #tpu.memory_space<vmem>>, vector<16xf32>,
      %add3A_730 = arith.constant 14 : i32
      %add3A_731 = arith.addi %mul3A_507, %add3A_730 : i32
      %get3A_732 = arith.index_cast %add3A_731 : i32 to index
      %get3A_733 = arith.constant 16 : index
      %get3A_734 = tpu.vector_load %arg8[%get3A_732, %get3A_733] {strides = array<i32>} : memref<3328x32xf32, #tpu.memory_space<vmem>>, vector<16xf32>,
      %add3A_735 = arith.addf %add3A_719, %get3A_729 : vector<16xf32>
      %add3A_736 = arith.addf %add3A_720, %get3A_734 : vector<16xf32>
      %mul3A_737 = arith.mulf %get3A_729, %get3A_729 : vector<16xf32>
      %add3A_738 = arith.addf %add3A_724, %mul3A_737 : vector<16xf32>
      %mul3A_739 = arith.mulf %get3A_734, %get3A_734 : vector<16xf32>
      %add3A_740 = arith.addf %add3A_738, %mul3A_739 : vector<16xf32>
      %add3A_741 = arith.constant 15 : i32
      %add3A_742 = arith.addi %mul3A_507, %add3A_741 : i32
      %get3A_743 = arith.index_cast %add3A_742 : i32 to index
      %get3A_744 = arith.constant 0 : index
      %get3A_745 = tpu.vector_load %arg8[%get3A_743, %get3A_744] {strides = array<i32>} : memref<3328x32xf32, #tpu.memory_space<vmem>>, vector<16xf32>,
      %add3A_746 = arith.constant 15 : i32
      %add3A_747 = arith.addi %mul3A_507, %add3A_746 : i32
      %get3A_748 = arith.index_cast %add3A_747 : i32 to index
      %get3A_749 = arith.constant 16 : index
      %get3A_750 = tpu.vector_load %arg8[%get3A_748, %get3A_749] {strides = array<i32>} : memref<3328x32xf32, #tpu.memory_space<vmem>>, vector<16xf32>,
      %add3A_751 = arith.addf %add3A_735, %get3A_745 : vector<16xf32>
      %add3A_752 = arith.addf %add3A_736, %get3A_750 : vector<16xf32>
      %mul3A_753 = arith.mulf %get3A_745, %get3A_745 : vector<16xf32>
      %add3A_754 = arith.addf %add3A_740, %mul3A_753 : vector<16xf32>
      %mul3A_755 = arith.mulf %get3A_750, %get3A_750 : vector<16xf32>
      %add3A_756 = arith.addf %add3A_754, %mul3A_755 : vector<16xf32>
      %add3A_757 = arith.constant 16 : i32
      %add3A_758 = arith.addi %mul3A_507, %add3A_757 : i32
      %get3A_759 = arith.index_cast %add3A_758 : i32 to index
      %get3A_760 = arith.constant 0 : index
      %get3A_761 = tpu.vector_load %arg8[%get3A_759, %get3A_760] {strides = array<i32>} : memref<3328x32xf32, #tpu.memory_space<vmem>>, vector<16xf32>,
      %add3A_762 = arith.constant 16 : i32
      %add3A_763 = arith.addi %mul3A_507, %add3A_762 : i32
      %get3A_764 = arith.index_cast %add3A_763 : i32 to index
      %get3A_765 = arith.constant 16 : index
      %get3A_766 = tpu.vector_load %arg8[%get3A_764, %get3A_765] {strides = array<i32>} : memref<3328x32xf32, #tpu.memory_space<vmem>>, vector<16xf32>,
      %add3A_767 = arith.addf %add3A_751, %get3A_761 : vector<16xf32>
      %add3A_768 = arith.addf %add3A_752, %get3A_766 : vector<16xf32>
      %mul3A_769 = arith.mulf %get3A_761, %get3A_761 : vector<16xf32>
      %add3A_770 = arith.addf %add3A_756, %mul3A_769 : vector<16xf32>
      %mul3A_771 = arith.mulf %get3A_766, %get3A_766 : vector<16xf32>
      %add3A_772 = arith.addf %add3A_770, %mul3A_771 : vector<16xf32>
      %add3A_773 = arith.constant 17 : i32
      %add3A_774 = arith.addi %mul3A_507, %add3A_773 : i32
      %get3A_775 = arith.index_cast %add3A_774 : i32 to index
      %get3A_776 = arith.constant 0 : index
      %get3A_777 = tpu.vector_load %arg8[%get3A_775, %get3A_776] {strides = array<i32>} : memref<3328x32xf32, #tpu.memory_space<vmem>>, vector<16xf32>,
      %add3A_778 = arith.constant 17 : i32
      %add3A_779 = arith.addi %mul3A_507, %add3A_778 : i32
      %get3A_780 = arith.index_cast %add3A_779 : i32 to index
      %get3A_781 = arith.constant 16 : index
      %get3A_782 = tpu.vector_load %arg8[%get3A_780, %get3A_781] {strides = array<i32>} : memref<3328x32xf32, #tpu.memory_space<vmem>>, vector<16xf32>,
      %add3A_783 = arith.addf %add3A_767, %get3A_777 : vector<16xf32>
      %add3A_784 = arith.addf %add3A_768, %get3A_782 : vector<16xf32>
      %mul3A_785 = arith.mulf %get3A_777, %get3A_777 : vector<16xf32>
      %add3A_786 = arith.addf %add3A_772, %mul3A_785 : vector<16xf32>
      %mul3A_787 = arith.mulf %get3A_782, %get3A_782 : vector<16xf32>
      %add3A_788 = arith.addf %add3A_786, %mul3A_787 : vector<16xf32>
      %add3A_789 = arith.constant 18 : i32
      %add3A_790 = arith.addi %mul3A_507, %add3A_789 : i32
      %get3A_791 = arith.index_cast %add3A_790 : i32 to index
      %get3A_792 = arith.constant 0 : index
      %get3A_793 = tpu.vector_load %arg8[%get3A_791, %get3A_792] {strides = array<i32>} : memref<3328x32xf32, #tpu.memory_space<vmem>>, vector<16xf32>,
      %add3A_794 = arith.constant 18 : i32
      %add3A_795 = arith.addi %mul3A_507, %add3A_794 : i32
      %get3A_796 = arith.index_cast %add3A_795 : i32 to index
      %get3A_797 = arith.constant 16 : index
      %get3A_798 = tpu.vector_load %arg8[%get3A_796, %get3A_797] {strides = array<i32>} : memref<3328x32xf32, #tpu.memory_space<vmem>>, vector<16xf32>,
      %add3A_799 = arith.addf %add3A_783, %get3A_793 : vector<16xf32>
      %add3A_800 = arith.addf %add3A_784, %get3A_798 : vector<16xf32>
      %mul3A_801 = arith.mulf %get3A_793, %get3A_793 : vector<16xf32>
      %add3A_802 = arith.addf %add3A_788, %mul3A_801 : vector<16xf32>
      %mul3A_803 = arith.mulf %get3A_798, %get3A_798 : vector<16xf32>
      %add3A_804 = arith.addf %add3A_802, %mul3A_803 : vector<16xf32>
      %add3A_805 = arith.constant 19 : i32
      %add3A_806 = arith.addi %mul3A_507, %add3A_805 : i32
      %get3A_807 = arith.index_cast %add3A_806 : i32 to index
      %get3A_808 = arith.constant 0 : index
      %get3A_809 = tpu.vector_load %arg8[%get3A_807, %get3A_808] {strides = array<i32>} : memref<3328x32xf32, #tpu.memory_space<vmem>>, vector<16xf32>,
      %add3A_810 = arith.constant 19 : i32
      %add3A_811 = arith.addi %mul3A_507, %add3A_810 : i32
      %get3A_812 = arith.index_cast %add3A_811 : i32 to index
      %get3A_813 = arith.constant 16 : index
      %get3A_814 = tpu.vector_load %arg8[%get3A_812, %get3A_813] {strides = array<i32>} : memref<3328x32xf32, #tpu.memory_space<vmem>>, vector<16xf32>,
      %add3A_815 = arith.addf %add3A_799, %get3A_809 : vector<16xf32>
      %add3A_816 = arith.addf %add3A_800, %get3A_814 : vector<16xf32>
      %mul3A_817 = arith.mulf %get3A_809, %get3A_809 : vector<16xf32>
      %add3A_818 = arith.addf %add3A_804, %mul3A_817 : vector<16xf32>
      %mul3A_819 = arith.mulf %get3A_814, %get3A_814 : vector<16xf32>
      %add3A_820 = arith.addf %add3A_818, %mul3A_819 : vector<16xf32>
      %add3A_821 = arith.constant 20 : i32
      %add3A_822 = arith.addi %mul3A_507, %add3A_821 : i32
      %get3A_823 = arith.index_cast %add3A_822 : i32 to index
      %get3A_824 = arith.constant 0 : index
      %get3A_825 = tpu.vector_load %arg8[%get3A_823, %get3A_824] {strides = array<i32>} : memref<3328x32xf32, #tpu.memory_space<vmem>>, vector<16xf32>,
      %add3A_826 = arith.constant 20 : i32
      %add3A_827 = arith.addi %mul3A_507, %add3A_826 : i32
      %get3A_828 = arith.index_cast %add3A_827 : i32 to index
      %get3A_829 = arith.constant 16 : index
      %get3A_830 = tpu.vector_load %arg8[%get3A_828, %get3A_829] {strides = array<i32>} : memref<3328x32xf32, #tpu.memory_space<vmem>>, vector<16xf32>,
      %add3A_831 = arith.addf %add3A_815, %get3A_825 : vector<16xf32>
      %add3A_832 = arith.addf %add3A_816, %get3A_830 : vector<16xf32>
      %mul3A_833 = arith.mulf %get3A_825, %get3A_825 : vector<16xf32>
      %add3A_834 = arith.addf %add3A_820, %mul3A_833 : vector<16xf32>
      %mul3A_835 = arith.mulf %get3A_830, %get3A_830 : vector<16xf32>
      %add3A_836 = arith.addf %add3A_834, %mul3A_835 : vector<16xf32>
      %add3A_837 = arith.constant 21 : i32
      %add3A_838 = arith.addi %mul3A_507, %add3A_837 : i32
      %get3A_839 = arith.index_cast %add3A_838 : i32 to index
      %get3A_840 = arith.constant 0 : index
      %get3A_841 = tpu.vector_load %arg8[%get3A_839, %get3A_840] {strides = array<i32>} : memref<3328x32xf32, #tpu.memory_space<vmem>>, vector<16xf32>,
      %add3A_842 = arith.constant 21 : i32
      %add3A_843 = arith.addi %mul3A_507, %add3A_842 : i32
      %get3A_844 = arith.index_cast %add3A_843 : i32 to index
      %get3A_845 = arith.constant 16 : index
      %get3A_846 = tpu.vector_load %arg8[%get3A_844, %get3A_845] {strides = array<i32>} : memref<3328x32xf32, #tpu.memory_space<vmem>>, vector<16xf32>,
      %add3A_847 = arith.addf %add3A_831, %get3A_841 : vector<16xf32>
      %add3A_848 = arith.addf %add3A_832, %get3A_846 : vector<16xf32>
      %mul3A_849 = arith.mulf %get3A_841, %get3A_841 : vector<16xf32>
      %add3A_850 = arith.addf %add3A_836, %mul3A_849 : vector<16xf32>
      %mul3A_851 = arith.mulf %get3A_846, %get3A_846 : vector<16xf32>
      %add3A_852 = arith.addf %add3A_850, %mul3A_851 : vector<16xf32>
      %add3A_853 = arith.constant 22 : i32
      %add3A_854 = arith.addi %mul3A_507, %add3A_853 : i32
      %get3A_855 = arith.index_cast %add3A_854 : i32 to index
      %get3A_856 = arith.constant 0 : index
      %get3A_857 = tpu.vector_load %arg8[%get3A_855, %get3A_856] {strides = array<i32>} : memref<3328x32xf32, #tpu.memory_space<vmem>>, vector<16xf32>,
      %add3A_858 = arith.constant 22 : i32
      %add3A_859 = arith.addi %mul3A_507, %add3A_858 : i32
      %get3A_860 = arith.index_cast %add3A_859 : i32 to index
      %get3A_861 = arith.constant 16 : index
      %get3A_862 = tpu.vector_load %arg8[%get3A_860, %get3A_861] {strides = array<i32>} : memref<3328x32xf32, #tpu.memory_space<vmem>>, vector<16xf32>,
      %add3A_863 = arith.addf %add3A_847, %get3A_857 : vector<16xf32>
      %add3A_864 = arith.addf %add3A_848, %get3A_862 : vector<16xf32>
      %mul3A_865 = arith.mulf %get3A_857, %get3A_857 : vector<16xf32>
      %add3A_866 = arith.addf %add3A_852, %mul3A_865 : vector<16xf32>
      %mul3A_867 = arith.mulf %get3A_862, %get3A_862 : vector<16xf32>
      %add3A_868 = arith.addf %add3A_866, %mul3A_867 : vector<16xf32>
      %add3A_869 = arith.constant 23 : i32
      %add3A_870 = arith.addi %mul3A_507, %add3A_869 : i32
      %get3A_871 = arith.index_cast %add3A_870 : i32 to index
      %get3A_872 = arith.constant 0 : index
      %get3A_873 = tpu.vector_load %arg8[%get3A_871, %get3A_872] {strides = array<i32>} : memref<3328x32xf32, #tpu.memory_space<vmem>>, vector<16xf32>,
      %add3A_874 = arith.constant 23 : i32
      %add3A_875 = arith.addi %mul3A_507, %add3A_874 : i32
      %get3A_876 = arith.index_cast %add3A_875 : i32 to index
      %get3A_877 = arith.constant 16 : index
      %get3A_878 = tpu.vector_load %arg8[%get3A_876, %get3A_877] {strides = array<i32>} : memref<3328x32xf32, #tpu.memory_space<vmem>>, vector<16xf32>,
      %add3A_879 = arith.addf %add3A_863, %get3A_873 : vector<16xf32>
      %add3A_880 = arith.addf %add3A_864, %get3A_878 : vector<16xf32>
      %mul3A_881 = arith.mulf %get3A_873, %get3A_873 : vector<16xf32>
      %add3A_882 = arith.addf %add3A_868, %mul3A_881 : vector<16xf32>
      %mul3A_883 = arith.mulf %get3A_878, %get3A_878 : vector<16xf32>
      %add3A_884 = arith.addf %add3A_882, %mul3A_883 : vector<16xf32>
      %add3A_885 = arith.constant 24 : i32
      %add3A_886 = arith.addi %mul3A_507, %add3A_885 : i32
      %get3A_887 = arith.index_cast %add3A_886 : i32 to index
      %get3A_888 = arith.constant 0 : index
      %get3A_889 = tpu.vector_load %arg8[%get3A_887, %get3A_888] {strides = array<i32>} : memref<3328x32xf32, #tpu.memory_space<vmem>>, vector<16xf32>,
      %add3A_890 = arith.constant 24 : i32
      %add3A_891 = arith.addi %mul3A_507, %add3A_890 : i32
      %get3A_892 = arith.index_cast %add3A_891 : i32 to index
      %get3A_893 = arith.constant 16 : index
      %get3A_894 = tpu.vector_load %arg8[%get3A_892, %get3A_893] {strides = array<i32>} : memref<3328x32xf32, #tpu.memory_space<vmem>>, vector<16xf32>,
      %add3A_895 = arith.addf %add3A_879, %get3A_889 : vector<16xf32>
      %add3A_896 = arith.addf %add3A_880, %get3A_894 : vector<16xf32>
      %mul3A_897 = arith.mulf %get3A_889, %get3A_889 : vector<16xf32>
      %add3A_898 = arith.addf %add3A_884, %mul3A_897 : vector<16xf32>
      %mul3A_899 = arith.mulf %get3A_894, %get3A_894 : vector<16xf32>
      %add3A_900 = arith.addf %add3A_898, %mul3A_899 : vector<16xf32>
      %add3A_901 = arith.constant 25 : i32
      %add3A_902 = arith.addi %mul3A_507, %add3A_901 : i32
      %get3A_903 = arith.index_cast %add3A_902 : i32 to index
      %get3A_904 = arith.constant 0 : index
      %get3A_905 = tpu.vector_load %arg8[%get3A_903, %get3A_904] {strides = array<i32>} : memref<3328x32xf32, #tpu.memory_space<vmem>>, vector<16xf32>,
      %add3A_906 = arith.constant 25 : i32
      %add3A_907 = arith.addi %mul3A_507, %add3A_906 : i32
      %get3A_908 = arith.index_cast %add3A_907 : i32 to index
      %get3A_909 = arith.constant 16 : index
      %get3A_910 = tpu.vector_load %arg8[%get3A_908, %get3A_909] {strides = array<i32>} : memref<3328x32xf32, #tpu.memory_space<vmem>>, vector<16xf32>,
      %add3A_911 = arith.addf %add3A_895, %get3A_905 : vector<16xf32>
      %add3A_912 = arith.addf %add3A_896, %get3A_910 : vector<16xf32>
      %mul3A_913 = arith.mulf %get3A_905, %get3A_905 : vector<16xf32>
      %add3A_914 = arith.addf %add3A_900, %mul3A_913 : vector<16xf32>
      %mul3A_915 = arith.mulf %get3A_910, %get3A_910 : vector<16xf32>
      %add3A_916 = arith.addf %add3A_914, %mul3A_915 : vector<16xf32>
      %get3A_917 = arith.index_cast %mul3A_507 : i32 to index
      %get3A_918 = tpu.vector_load %arg9[%get3A_917] {strides = array<i32>} : memref<3328xf32, #tpu.memory_space<vmem>>, vector<16xf32>,
      %add3A_919 = arith.constant 16 : i32
      %add3A_920 = arith.addi %mul3A_507, %add3A_919 : i32
      %get3A_921 = arith.index_cast %add3A_920 : i32 to index
      %get3A_922 = tpu.vector_load %arg9[%get3A_921] {strides = array<i32>} : memref<3328xf32, #tpu.memory_space<vmem>>, vector<16xf32>,
      %mul3A_923 = arith.mulf %add3A_911, %add3A_911 : vector<16xf32>
      %mul3A_924 = arith.mulf %add3A_912, %add3A_912 : vector<16xf32>
      %add3A_925 = arith.addf %mul3A_923, %mul3A_924 : vector<16xf32>
      %sub3A = arith.subf %add3A_925, %add3A_916 : vector<16xf32>
      %mul3A_926 = arith.constant 5.000000e-01 : f32
      %mul3A_927 = vector.broadcast %mul3A_926 : f32 to vector<16xf32>
      %mul3A_928 = arith.mulf %mul3A_927, %sub3A : vector<16xf32>
      %add3A_929 = arith.addf %mul3A_928, %get3A_918 : vector<16xf32>
      %mul3A_930 = arith.mulf %get3A_922, %select_n3A : vector<16xf32>
      %add3A_931 = arith.addf %add3A_929, %mul3A_930 : vector<16xf32>
      %mul3A_932 = arith.constant 128 : i32
      %mul3A_933 = vector.broadcast %mul3A_932 : i32 to vector<16xi32>
      %mul3A_934 = arith.muli %iota3A_19, %mul3A_933 : vector<16xi32>
      %add3A_935 = vector.broadcast %scan3A_505 : i32 to vector<16xi32>
      %add3A_936 = arith.addi %mul3A_934, %add3A_935 : vector<16xi32>
      tpu.vector_store_idx %arg10[%add3A_936], %add3A_931 : memref<2048xf32, #tpu.memory_space<vmem>>[vector<16xi32>], vector<16xf32>,
    }
    %scan3A_25 = arith.constant 128 : i32
    %get3A = arith.constant 0 : index
    %get3A_26 = tpu.vector_load %arg12[%get3A] {strides = array<i32>} : memref<16xf32, #tpu.memory_space<vmem>>, vector<16xf32>,
    %get3A_27 = arith.constant 0 : index
    %get3A_28 = tpu.vector_load %arg10[%get3A_27] {strides = array<i32>} : memref<2048xf32, #tpu.memory_space<vmem>>, vector<16xf32>,
    %get3A_29 = arith.constant 128 : index
    %get3A_30 = tpu.vector_load %arg10[%get3A_29] {strides = array<i32>} : memref<2048xf32, #tpu.memory_space<vmem>>, vector<16xf32>,
    %add3A_31 = arith.addf %get3A_28, %get3A_30 : vector<16xf32>
    %get3A_32 = arith.constant 256 : index
    %get3A_33 = tpu.vector_load %arg10[%get3A_32] {strides = array<i32>} : memref<2048xf32, #tpu.memory_space<vmem>>, vector<16xf32>,
    %add3A_34 = arith.addf %add3A_31, %get3A_33 : vector<16xf32>
    %get3A_35 = arith.constant 384 : index
    %get3A_36 = tpu.vector_load %arg10[%get3A_35] {strides = array<i32>} : memref<2048xf32, #tpu.memory_space<vmem>>, vector<16xf32>,
    %add3A_37 = arith.addf %add3A_34, %get3A_36 : vector<16xf32>
    %get3A_38 = arith.constant 512 : index
    %get3A_39 = tpu.vector_load %arg10[%get3A_38] {strides = array<i32>} : memref<2048xf32, #tpu.memory_space<vmem>>, vector<16xf32>,
    %add3A_40 = arith.addf %add3A_37, %get3A_39 : vector<16xf32>
    %get3A_41 = arith.constant 640 : index
    %get3A_42 = tpu.vector_load %arg10[%get3A_41] {strides = array<i32>} : memref<2048xf32, #tpu.memory_space<vmem>>, vector<16xf32>,
    %add3A_43 = arith.addf %add3A_40, %get3A_42 : vector<16xf32>
    %get3A_44 = arith.constant 768 : index
    %get3A_45 = tpu.vector_load %arg10[%get3A_44] {strides = array<i32>} : memref<2048xf32, #tpu.memory_space<vmem>>, vector<16xf32>,
    %add3A_46 = arith.addf %add3A_43, %get3A_45 : vector<16xf32>
    %get3A_47 = arith.constant 896 : index
    %get3A_48 = tpu.vector_load %arg10[%get3A_47] {strides = array<i32>} : memref<2048xf32, #tpu.memory_space<vmem>>, vector<16xf32>,
    %add3A_49 = arith.addf %add3A_46, %get3A_48 : vector<16xf32>
    %get3A_50 = arith.constant 1024 : index
    %get3A_51 = tpu.vector_load %arg10[%get3A_50] {strides = array<i32>} : memref<2048xf32, #tpu.memory_space<vmem>>, vector<16xf32>,
    %add3A_52 = arith.addf %add3A_49, %get3A_51 : vector<16xf32>
    %get3A_53 = arith.constant 1152 : index
    %get3A_54 = tpu.vector_load %arg10[%get3A_53] {strides = array<i32>} : memref<2048xf32, #tpu.memory_space<vmem>>, vector<16xf32>,
    %add3A_55 = arith.addf %add3A_52, %get3A_54 : vector<16xf32>
    %get3A_56 = arith.constant 1280 : index
    %get3A_57 = tpu.vector_load %arg10[%get3A_56] {strides = array<i32>} : memref<2048xf32, #tpu.memory_space<vmem>>, vector<16xf32>,
    %add3A_58 = arith.addf %add3A_55, %get3A_57 : vector<16xf32>
    %get3A_59 = arith.constant 1408 : index
    %get3A_60 = tpu.vector_load %arg10[%get3A_59] {strides = array<i32>} : memref<2048xf32, #tpu.memory_space<vmem>>, vector<16xf32>,
    %add3A_61 = arith.addf %add3A_58, %get3A_60 : vector<16xf32>
    %get3A_62 = arith.constant 1536 : index
    %get3A_63 = tpu.vector_load %arg10[%get3A_62] {strides = array<i32>} : memref<2048xf32, #tpu.memory_space<vmem>>, vector<16xf32>,
    %add3A_64 = arith.addf %add3A_61, %get3A_63 : vector<16xf32>
    %get3A_65 = arith.constant 1664 : index
    %get3A_66 = tpu.vector_load %arg10[%get3A_65] {strides = array<i32>} : memref<2048xf32, #tpu.memory_space<vmem>>, vector<16xf32>,
    %add3A_67 = arith.addf %add3A_64, %get3A_66 : vector<16xf32>
    %get3A_68 = arith.constant 1792 : index
    %get3A_69 = tpu.vector_load %arg10[%get3A_68] {strides = array<i32>} : memref<2048xf32, #tpu.memory_space<vmem>>, vector<16xf32>,
    %add3A_70 = arith.addf %add3A_67, %get3A_69 : vector<16xf32>
    %get3A_71 = arith.constant 1920 : index
    %get3A_72 = tpu.vector_load %arg10[%get3A_71] {strides = array<i32>} : memref<2048xf32, #tpu.memory_space<vmem>>, vector<16xf32>,
    %add3A_73 = arith.addf %add3A_70, %get3A_72 : vector<16xf32>
    %add3A_74 = arith.addf %add3A_73, %get3A_26 : vector<16xf32>
    %neg3A = arith.constant 0.000000e+00 : f32
    %neg3A_75 = vector.broadcast %neg3A : f32 to vector<16xf32>
    %neg3A_76 = arith.subf %neg3A_75, %add3A_74 : vector<16xf32>
    %exp3A = math.exp %neg3A_76 : vector<16xf32>
    %add3A_77 = arith.constant 1.000000e+00 : f32
    %add3A_78 = vector.broadcast %add3A_77 : f32 to vector<16xf32>
    %add3A_79 = arith.addf %add3A_78, %exp3A : vector<16xf32>
    %div3A = arith.constant 1.000000e+00 : f32
    %div3A_80 = vector.broadcast %div3A : f32 to vector<16xf32>
    %div3A_81 = arith.divf %div3A_80, %add3A_79 : vector<16xf32>
    %swap3A = arith.constant 0 : index
    %swap3A_82 = tpu.vector_load %arg11[%swap3A] {strides = array<i32>} : memref<128xf32, #tpu.memory_space<vmem>>, vector<16xf32>,
    tpu.vector_store %arg11[%swap3A], %div3A_81 {strides = array<i32>} : memref<128xf32, #tpu.memory_space<vmem>>, vector<16xf32>,
    %get3A_83 = arith.constant 16 : index
    %get3A_84 = tpu.vector_load %arg10[%get3A_83] {strides = array<i32>} : memref<2048xf32, #tpu.memory_space<vmem>>, vector<16xf32>,
    %get3A_85 = arith.constant 144 : index
    %get3A_86 = tpu.vector_load %arg10[%get3A_85] {strides = array<i32>} : memref<2048xf32, #tpu.memory_space<vmem>>, vector<16xf32>,
    %add3A_87 = arith.addf %get3A_84, %get3A_86 : vector<16xf32>
    %get3A_88 = arith.constant 272 : index
    %get3A_89 = tpu.vector_load %arg10[%get3A_88] {strides = array<i32>} : memref<2048xf32, #tpu.memory_space<vmem>>, vector<16xf32>,
    %add3A_90 = arith.addf %add3A_87, %get3A_89 : vector<16xf32>
    %get3A_91 = arith.constant 400 : index
    %get3A_92 = tpu.vector_load %arg10[%get3A_91] {strides = array<i32>} : memref<2048xf32, #tpu.memory_space<vmem>>, vector<16xf32>,
    %add3A_93 = arith.addf %add3A_90, %get3A_92 : vector<16xf32>
    %get3A_94 = arith.constant 528 : index
    %get3A_95 = tpu.vector_load %arg10[%get3A_94] {strides = array<i32>} : memref<2048xf32, #tpu.memory_space<vmem>>, vector<16xf32>,
    %add3A_96 = arith.addf %add3A_93, %get3A_95 : vector<16xf32>
    %get3A_97 = arith.constant 656 : index
    %get3A_98 = tpu.vector_load %arg10[%get3A_97] {strides = array<i32>} : memref<2048xf32, #tpu.memory_space<vmem>>, vector<16xf32>,
    %add3A_99 = arith.addf %add3A_96, %get3A_98 : vector<16xf32>
    %get3A_100 = arith.constant 784 : index
    %get3A_101 = tpu.vector_load %arg10[%get3A_100] {strides = array<i32>} : memref<2048xf32, #tpu.memory_space<vmem>>, vector<16xf32>,
    %add3A_102 = arith.addf %add3A_99, %get3A_101 : vector<16xf32>
    %get3A_103 = arith.constant 912 : index
    %get3A_104 = tpu.vector_load %arg10[%get3A_103] {strides = array<i32>} : memref<2048xf32, #tpu.memory_space<vmem>>, vector<16xf32>,
    %add3A_105 = arith.addf %add3A_102, %get3A_104 : vector<16xf32>
    %get3A_106 = arith.constant 1040 : index
    %get3A_107 = tpu.vector_load %arg10[%get3A_106] {strides = array<i32>} : memref<2048xf32, #tpu.memory_space<vmem>>, vector<16xf32>,
    %add3A_108 = arith.addf %add3A_105, %get3A_107 : vector<16xf32>
    %get3A_109 = arith.constant 1168 : index
    %get3A_110 = tpu.vector_load %arg10[%get3A_109] {strides = array<i32>} : memref<2048xf32, #tpu.memory_space<vmem>>, vector<16xf32>,
    %add3A_111 = arith.addf %add3A_108, %get3A_110 : vector<16xf32>
    %get3A_112 = arith.constant 1296 : index
    %get3A_113 = tpu.vector_load %arg10[%get3A_112] {strides = array<i32>} : memref<2048xf32, #tpu.memory_space<vmem>>, vector<16xf32>,
    %add3A_114 = arith.addf %add3A_111, %get3A_113 : vector<16xf32>
    %get3A_115 = arith.constant 1424 : index
    %get3A_116 = tpu.vector_load %arg10[%get3A_115] {strides = array<i32>} : memref<2048xf32, #tpu.memory_space<vmem>>, vector<16xf32>,
    %add3A_117 = arith.addf %add3A_114, %get3A_116 : vector<16xf32>
    %get3A_118 = arith.constant 1552 : index
    %get3A_119 = tpu.vector_load %arg10[%get3A_118] {strides = array<i32>} : memref<2048xf32, #tpu.memory_space<vmem>>, vector<16xf32>,
    %add3A_120 = arith.addf %add3A_117, %get3A_119 : vector<16xf32>
    %get3A_121 = arith.constant 1680 : index
    %get3A_122 = tpu.vector_load %arg10[%get3A_121] {strides = array<i32>} : memref<2048xf32, #tpu.memory_space<vmem>>, vector<16xf32>,
    %add3A_123 = arith.addf %add3A_120, %get3A_122 : vector<16xf32>
    %get3A_124 = arith.constant 1808 : index
    %get3A_125 = tpu.vector_load %arg10[%get3A_124] {strides = array<i32>} : memref<2048xf32, #tpu.memory_space<vmem>>, vector<16xf32>,
    %add3A_126 = arith.addf %add3A_123, %get3A_125 : vector<16xf32>
    %get3A_127 = arith.constant 1936 : index
    %get3A_128 = tpu.vector_load %arg10[%get3A_127] {strides = array<i32>} : memref<2048xf32, #tpu.memory_space<vmem>>, vector<16xf32>,
    %add3A_129 = arith.addf %add3A_126, %get3A_128 : vector<16xf32>
    %add3A_130 = arith.addf %add3A_129, %get3A_26 : vector<16xf32>
    %neg3A_131 = arith.constant 0.000000e+00 : f32
    %neg3A_132 = vector.broadcast %neg3A_131 : f32 to vector<16xf32>
    %neg3A_133 = arith.subf %neg3A_132, %add3A_130 : vector<16xf32>
    %exp3A_134 = math.exp %neg3A_133 : vector<16xf32>
    %add3A_135 = arith.constant 1.000000e+00 : f32
    %add3A_136 = vector.broadcast %add3A_135 : f32 to vector<16xf32>
    %add3A_137 = arith.addf %add3A_136, %exp3A_134 : vector<16xf32>
    %div3A_138 = arith.constant 1.000000e+00 : f32
    %div3A_139 = vector.broadcast %div3A_138 : f32 to vector<16xf32>
    %div3A_140 = arith.divf %div3A_139, %add3A_137 : vector<16xf32>
    %swap3A_141 = arith.constant 16 : index
    %swap3A_142 = tpu.vector_load %arg11[%swap3A_141] {strides = array<i32>} : memref<128xf32, #tpu.memory_space<vmem>>, vector<16xf32>,
    tpu.vector_store %arg11[%swap3A_141], %div3A_140 {strides = array<i32>} : memref<128xf32, #tpu.memory_space<vmem>>, vector<16xf32>,
    %get3A_143 = arith.constant 32 : index
    %get3A_144 = tpu.vector_load %arg10[%get3A_143] {strides = array<i32>} : memref<2048xf32, #tpu.memory_space<vmem>>, vector<16xf32>,
    %get3A_145 = arith.constant 160 : index
    %get3A_146 = tpu.vector_load %arg10[%get3A_145] {strides = array<i32>} : memref<2048xf32, #tpu.memory_space<vmem>>, vector<16xf32>,
    %add3A_147 = arith.addf %get3A_144, %get3A_146 : vector<16xf32>
    %get3A_148 = arith.constant 288 : index
    %get3A_149 = tpu.vector_load %arg10[%get3A_148] {strides = array<i32>} : memref<2048xf32, #tpu.memory_space<vmem>>, vector<16xf32>,
    %add3A_150 = arith.addf %add3A_147, %get3A_149 : vector<16xf32>
    %get3A_151 = arith.constant 416 : index
    %get3A_152 = tpu.vector_load %arg10[%get3A_151] {strides = array<i32>} : memref<2048xf32, #tpu.memory_space<vmem>>, vector<16xf32>,
    %add3A_153 = arith.addf %add3A_150, %get3A_152 : vector<16xf32>
    %get3A_154 = arith.constant 544 : index
    %get3A_155 = tpu.vector_load %arg10[%get3A_154] {strides = array<i32>} : memref<2048xf32, #tpu.memory_space<vmem>>, vector<16xf32>,
    %add3A_156 = arith.addf %add3A_153, %get3A_155 : vector<16xf32>
    %get3A_157 = arith.constant 672 : index
    %get3A_158 = tpu.vector_load %arg10[%get3A_157] {strides = array<i32>} : memref<2048xf32, #tpu.memory_space<vmem>>, vector<16xf32>,
    %add3A_159 = arith.addf %add3A_156, %get3A_158 : vector<16xf32>
    %get3A_160 = arith.constant 800 : index
    %get3A_161 = tpu.vector_load %arg10[%get3A_160] {strides = array<i32>} : memref<2048xf32, #tpu.memory_space<vmem>>, vector<16xf32>,
    %add3A_162 = arith.addf %add3A_159, %get3A_161 : vector<16xf32>
    %get3A_163 = arith.constant 928 : index
    %get3A_164 = tpu.vector_load %arg10[%get3A_163] {strides = array<i32>} : memref<2048xf32, #tpu.memory_space<vmem>>, vector<16xf32>,
    %add3A_165 = arith.addf %add3A_162, %get3A_164 : vector<16xf32>
    %get3A_166 = arith.constant 1056 : index
    %get3A_167 = tpu.vector_load %arg10[%get3A_166] {strides = array<i32>} : memref<2048xf32, #tpu.memory_space<vmem>>, vector<16xf32>,
    %add3A_168 = arith.addf %add3A_165, %get3A_167 : vector<16xf32>
    %get3A_169 = arith.constant 1184 : index
    %get3A_170 = tpu.vector_load %arg10[%get3A_169] {strides = array<i32>} : memref<2048xf32, #tpu.memory_space<vmem>>, vector<16xf32>,
    %add3A_171 = arith.addf %add3A_168, %get3A_170 : vector<16xf32>
    %get3A_172 = arith.constant 1312 : index
    %get3A_173 = tpu.vector_load %arg10[%get3A_172] {strides = array<i32>} : memref<2048xf32, #tpu.memory_space<vmem>>, vector<16xf32>,
    %add3A_174 = arith.addf %add3A_171, %get3A_173 : vector<16xf32>
    %get3A_175 = arith.constant 1440 : index
    %get3A_176 = tpu.vector_load %arg10[%get3A_175] {strides = array<i32>} : memref<2048xf32, #tpu.memory_space<vmem>>, vector<16xf32>,
    %add3A_177 = arith.addf %add3A_174, %get3A_176 : vector<16xf32>
    %get3A_178 = arith.constant 1568 : index
    %get3A_179 = tpu.vector_load %arg10[%get3A_178] {strides = array<i32>} : memref<2048xf32, #tpu.memory_space<vmem>>, vector<16xf32>,
    %add3A_180 = arith.addf %add3A_177, %get3A_179 : vector<16xf32>
    %get3A_181 = arith.constant 1696 : index
    %get3A_182 = tpu.vector_load %arg10[%get3A_181] {strides = array<i32>} : memref<2048xf32, #tpu.memory_space<vmem>>, vector<16xf32>,
    %add3A_183 = arith.addf %add3A_180, %get3A_182 : vector<16xf32>
    %get3A_184 = arith.constant 1824 : index
    %get3A_185 = tpu.vector_load %arg10[%get3A_184] {strides = array<i32>} : memref<2048xf32, #tpu.memory_space<vmem>>, vector<16xf32>,
    %add3A_186 = arith.addf %add3A_183, %get3A_185 : vector<16xf32>
    %get3A_187 = arith.constant 1952 : index
    %get3A_188 = tpu.vector_load %arg10[%get3A_187] {strides = array<i32>} : memref<2048xf32, #tpu.memory_space<vmem>>, vector<16xf32>,
    %add3A_189 = arith.addf %add3A_186, %get3A_188 : vector<16xf32>
    %add3A_190 = arith.addf %add3A_189, %get3A_26 : vector<16xf32>
    %neg3A_191 = arith.constant 0.000000e+00 : f32
    %neg3A_192 = vector.broadcast %neg3A_191 : f32 to vector<16xf32>
    %neg3A_193 = arith.subf %neg3A_192, %add3A_190 : vector<16xf32>
    %exp3A_194 = math.exp %neg3A_193 : vector<16xf32>
    %add3A_195 = arith.constant 1.000000e+00 : f32
    %add3A_196 = vector.broadcast %add3A_195 : f32 to vector<16xf32>
    %add3A_197 = arith.addf %add3A_196, %exp3A_194 : vector<16xf32>
    %div3A_198 = arith.constant 1.000000e+00 : f32
    %div3A_199 = vector.broadcast %div3A_198 : f32 to vector<16xf32>
    %div3A_200 = arith.divf %div3A_199, %add3A_197 : vector<16xf32>
    %swap3A_201 = arith.constant 32 : index
    %swap3A_202 = tpu.vector_load %arg11[%swap3A_201] {strides = array<i32>} : memref<128xf32, #tpu.memory_space<vmem>>, vector<16xf32>,
    tpu.vector_store %arg11[%swap3A_201], %div3A_200 {strides = array<i32>} : memref<128xf32, #tpu.memory_space<vmem>>, vector<16xf32>,
    %get3A_203 = arith.constant 48 : index
    %get3A_204 = tpu.vector_load %arg10[%get3A_203] {strides = array<i32>} : memref<2048xf32, #tpu.memory_space<vmem>>, vector<16xf32>,
    %get3A_205 = arith.constant 176 : index
    %get3A_206 = tpu.vector_load %arg10[%get3A_205] {strides = array<i32>} : memref<2048xf32, #tpu.memory_space<vmem>>, vector<16xf32>,
    %add3A_207 = arith.addf %get3A_204, %get3A_206 : vector<16xf32>
    %get3A_208 = arith.constant 304 : index
    %get3A_209 = tpu.vector_load %arg10[%get3A_208] {strides = array<i32>} : memref<2048xf32, #tpu.memory_space<vmem>>, vector<16xf32>,
    %add3A_210 = arith.addf %add3A_207, %get3A_209 : vector<16xf32>
    %get3A_211 = arith.constant 432 : index
    %get3A_212 = tpu.vector_load %arg10[%get3A_211] {strides = array<i32>} : memref<2048xf32, #tpu.memory_space<vmem>>, vector<16xf32>,
    %add3A_213 = arith.addf %add3A_210, %get3A_212 : vector<16xf32>
    %get3A_214 = arith.constant 560 : index
    %get3A_215 = tpu.vector_load %arg10[%get3A_214] {strides = array<i32>} : memref<2048xf32, #tpu.memory_space<vmem>>, vector<16xf32>,
    %add3A_216 = arith.addf %add3A_213, %get3A_215 : vector<16xf32>
    %get3A_217 = arith.constant 688 : index
    %get3A_218 = tpu.vector_load %arg10[%get3A_217] {strides = array<i32>} : memref<2048xf32, #tpu.memory_space<vmem>>, vector<16xf32>,
    %add3A_219 = arith.addf %add3A_216, %get3A_218 : vector<16xf32>
    %get3A_220 = arith.constant 816 : index
    %get3A_221 = tpu.vector_load %arg10[%get3A_220] {strides = array<i32>} : memref<2048xf32, #tpu.memory_space<vmem>>, vector<16xf32>,
    %add3A_222 = arith.addf %add3A_219, %get3A_221 : vector<16xf32>
    %get3A_223 = arith.constant 944 : index
    %get3A_224 = tpu.vector_load %arg10[%get3A_223] {strides = array<i32>} : memref<2048xf32, #tpu.memory_space<vmem>>, vector<16xf32>,
    %add3A_225 = arith.addf %add3A_222, %get3A_224 : vector<16xf32>
    %get3A_226 = arith.constant 1072 : index
    %get3A_227 = tpu.vector_load %arg10[%get3A_226] {strides = array<i32>} : memref<2048xf32, #tpu.memory_space<vmem>>, vector<16xf32>,
    %add3A_228 = arith.addf %add3A_225, %get3A_227 : vector<16xf32>
    %get3A_229 = arith.constant 1200 : index
    %get3A_230 = tpu.vector_load %arg10[%get3A_229] {strides = array<i32>} : memref<2048xf32, #tpu.memory_space<vmem>>, vector<16xf32>,
    %add3A_231 = arith.addf %add3A_228, %get3A_230 : vector<16xf32>
    %get3A_232 = arith.constant 1328 : index
    %get3A_233 = tpu.vector_load %arg10[%get3A_232] {strides = array<i32>} : memref<2048xf32, #tpu.memory_space<vmem>>, vector<16xf32>,
    %add3A_234 = arith.addf %add3A_231, %get3A_233 : vector<16xf32>
    %get3A_235 = arith.constant 1456 : index
    %get3A_236 = tpu.vector_load %arg10[%get3A_235] {strides = array<i32>} : memref<2048xf32, #tpu.memory_space<vmem>>, vector<16xf32>,
    %add3A_237 = arith.addf %add3A_234, %get3A_236 : vector<16xf32>
    %get3A_238 = arith.constant 1584 : index
    %get3A_239 = tpu.vector_load %arg10[%get3A_238] {strides = array<i32>} : memref<2048xf32, #tpu.memory_space<vmem>>, vector<16xf32>,
    %add3A_240 = arith.addf %add3A_237, %get3A_239 : vector<16xf32>
    %get3A_241 = arith.constant 1712 : index
    %get3A_242 = tpu.vector_load %arg10[%get3A_241] {strides = array<i32>} : memref<2048xf32, #tpu.memory_space<vmem>>, vector<16xf32>,
    %add3A_243 = arith.addf %add3A_240, %get3A_242 : vector<16xf32>
    %get3A_244 = arith.constant 1840 : index
    %get3A_245 = tpu.vector_load %arg10[%get3A_244] {strides = array<i32>} : memref<2048xf32, #tpu.memory_space<vmem>>, vector<16xf32>,
    %add3A_246 = arith.addf %add3A_243, %get3A_245 : vector<16xf32>
    %get3A_247 = arith.constant 1968 : index
    %get3A_248 = tpu.vector_load %arg10[%get3A_247] {strides = array<i32>} : memref<2048xf32, #tpu.memory_space<vmem>>, vector<16xf32>,
    %add3A_249 = arith.addf %add3A_246, %get3A_248 : vector<16xf32>
    %add3A_250 = arith.addf %add3A_249, %get3A_26 : vector<16xf32>
    %neg3A_251 = arith.constant 0.000000e+00 : f32
    %neg3A_252 = vector.broadcast %neg3A_251 : f32 to vector<16xf32>
    %neg3A_253 = arith.subf %neg3A_252, %add3A_250 : vector<16xf32>
    %exp3A_254 = math.exp %neg3A_253 : vector<16xf32>
    %add3A_255 = arith.constant 1.000000e+00 : f32
    %add3A_256 = vector.broadcast %add3A_255 : f32 to vector<16xf32>
    %add3A_257 = arith.addf %add3A_256, %exp3A_254 : vector<16xf32>
    %div3A_258 = arith.constant 1.000000e+00 : f32
    %div3A_259 = vector.broadcast %div3A_258 : f32 to vector<16xf32>
    %div3A_260 = arith.divf %div3A_259, %add3A_257 : vector<16xf32>
    %swap3A_261 = arith.constant 48 : index
    %swap3A_262 = tpu.vector_load %arg11[%swap3A_261] {strides = array<i32>} : memref<128xf32, #tpu.memory_space<vmem>>, vector<16xf32>,
    tpu.vector_store %arg11[%swap3A_261], %div3A_260 {strides = array<i32>} : memref<128xf32, #tpu.memory_space<vmem>>, vector<16xf32>,
    %get3A_263 = arith.constant 64 : index
    %get3A_264 = tpu.vector_load %arg10[%get3A_263] {strides = array<i32>} : memref<2048xf32, #tpu.memory_space<vmem>>, vector<16xf32>,
    %get3A_265 = arith.constant 192 : index
    %get3A_266 = tpu.vector_load %arg10[%get3A_265] {strides = array<i32>} : memref<2048xf32, #tpu.memory_space<vmem>>, vector<16xf32>,
    %add3A_267 = arith.addf %get3A_264, %get3A_266 : vector<16xf32>
    %get3A_268 = arith.constant 320 : index
    %get3A_269 = tpu.vector_load %arg10[%get3A_268] {strides = array<i32>} : memref<2048xf32, #tpu.memory_space<vmem>>, vector<16xf32>,
    %add3A_270 = arith.addf %add3A_267, %get3A_269 : vector<16xf32>
    %get3A_271 = arith.constant 448 : index
    %get3A_272 = tpu.vector_load %arg10[%get3A_271] {strides = array<i32>} : memref<2048xf32, #tpu.memory_space<vmem>>, vector<16xf32>,
    %add3A_273 = arith.addf %add3A_270, %get3A_272 : vector<16xf32>
    %get3A_274 = arith.constant 576 : index
    %get3A_275 = tpu.vector_load %arg10[%get3A_274] {strides = array<i32>} : memref<2048xf32, #tpu.memory_space<vmem>>, vector<16xf32>,
    %add3A_276 = arith.addf %add3A_273, %get3A_275 : vector<16xf32>
    %get3A_277 = arith.constant 704 : index
    %get3A_278 = tpu.vector_load %arg10[%get3A_277] {strides = array<i32>} : memref<2048xf32, #tpu.memory_space<vmem>>, vector<16xf32>,
    %add3A_279 = arith.addf %add3A_276, %get3A_278 : vector<16xf32>
    %get3A_280 = arith.constant 832 : index
    %get3A_281 = tpu.vector_load %arg10[%get3A_280] {strides = array<i32>} : memref<2048xf32, #tpu.memory_space<vmem>>, vector<16xf32>,
    %add3A_282 = arith.addf %add3A_279, %get3A_281 : vector<16xf32>
    %get3A_283 = arith.constant 960 : index
    %get3A_284 = tpu.vector_load %arg10[%get3A_283] {strides = array<i32>} : memref<2048xf32, #tpu.memory_space<vmem>>, vector<16xf32>,
    %add3A_285 = arith.addf %add3A_282, %get3A_284 : vector<16xf32>
    %get3A_286 = arith.constant 1088 : index
    %get3A_287 = tpu.vector_load %arg10[%get3A_286] {strides = array<i32>} : memref<2048xf32, #tpu.memory_space<vmem>>, vector<16xf32>,
    %add3A_288 = arith.addf %add3A_285, %get3A_287 : vector<16xf32>
    %get3A_289 = arith.constant 1216 : index
    %get3A_290 = tpu.vector_load %arg10[%get3A_289] {strides = array<i32>} : memref<2048xf32, #tpu.memory_space<vmem>>, vector<16xf32>,
    %add3A_291 = arith.addf %add3A_288, %get3A_290 : vector<16xf32>
    %get3A_292 = arith.constant 1344 : index
    %get3A_293 = tpu.vector_load %arg10[%get3A_292] {strides = array<i32>} : memref<2048xf32, #tpu.memory_space<vmem>>, vector<16xf32>,
    %add3A_294 = arith.addf %add3A_291, %get3A_293 : vector<16xf32>
    %get3A_295 = arith.constant 1472 : index
    %get3A_296 = tpu.vector_load %arg10[%get3A_295] {strides = array<i32>} : memref<2048xf32, #tpu.memory_space<vmem>>, vector<16xf32>,
    %add3A_297 = arith.addf %add3A_294, %get3A_296 : vector<16xf32>
    %get3A_298 = arith.constant 1600 : index
    %get3A_299 = tpu.vector_load %arg10[%get3A_298] {strides = array<i32>} : memref<2048xf32, #tpu.memory_space<vmem>>, vector<16xf32>,
    %add3A_300 = arith.addf %add3A_297, %get3A_299 : vector<16xf32>
    %get3A_301 = arith.constant 1728 : index
    %get3A_302 = tpu.vector_load %arg10[%get3A_301] {strides = array<i32>} : memref<2048xf32, #tpu.memory_space<vmem>>, vector<16xf32>,
    %add3A_303 = arith.addf %add3A_300, %get3A_302 : vector<16xf32>
    %get3A_304 = arith.constant 1856 : index
    %get3A_305 = tpu.vector_load %arg10[%get3A_304] {strides = array<i32>} : memref<2048xf32, #tpu.memory_space<vmem>>, vector<16xf32>,
    %add3A_306 = arith.addf %add3A_303, %get3A_305 : vector<16xf32>
    %get3A_307 = arith.constant 1984 : index
    %get3A_308 = tpu.vector_load %arg10[%get3A_307] {strides = array<i32>} : memref<2048xf32, #tpu.memory_space<vmem>>, vector<16xf32>,
    %add3A_309 = arith.addf %add3A_306, %get3A_308 : vector<16xf32>
    %add3A_310 = arith.addf %add3A_309, %get3A_26 : vector<16xf32>
    %neg3A_311 = arith.constant 0.000000e+00 : f32
    %neg3A_312 = vector.broadcast %neg3A_311 : f32 to vector<16xf32>
    %neg3A_313 = arith.subf %neg3A_312, %add3A_310 : vector<16xf32>
    %exp3A_314 = math.exp %neg3A_313 : vector<16xf32>
    %add3A_315 = arith.constant 1.000000e+00 : f32
    %add3A_316 = vector.broadcast %add3A_315 : f32 to vector<16xf32>
    %add3A_317 = arith.addf %add3A_316, %exp3A_314 : vector<16xf32>
    %div3A_318 = arith.constant 1.000000e+00 : f32
    %div3A_319 = vector.broadcast %div3A_318 : f32 to vector<16xf32>
    %div3A_320 = arith.divf %div3A_319, %add3A_317 : vector<16xf32>
    %swap3A_321 = arith.constant 64 : index
    %swap3A_322 = tpu.vector_load %arg11[%swap3A_321] {strides = array<i32>} : memref<128xf32, #tpu.memory_space<vmem>>, vector<16xf32>,
    tpu.vector_store %arg11[%swap3A_321], %div3A_320 {strides = array<i32>} : memref<128xf32, #tpu.memory_space<vmem>>, vector<16xf32>,
    %get3A_323 = arith.constant 80 : index
    %get3A_324 = tpu.vector_load %arg10[%get3A_323] {strides = array<i32>} : memref<2048xf32, #tpu.memory_space<vmem>>, vector<16xf32>,
    %get3A_325 = arith.constant 208 : index
    %get3A_326 = tpu.vector_load %arg10[%get3A_325] {strides = array<i32>} : memref<2048xf32, #tpu.memory_space<vmem>>, vector<16xf32>,
    %add3A_327 = arith.addf %get3A_324, %get3A_326 : vector<16xf32>
    %get3A_328 = arith.constant 336 : index
    %get3A_329 = tpu.vector_load %arg10[%get3A_328] {strides = array<i32>} : memref<2048xf32, #tpu.memory_space<vmem>>, vector<16xf32>,
    %add3A_330 = arith.addf %add3A_327, %get3A_329 : vector<16xf32>
    %get3A_331 = arith.constant 464 : index
    %get3A_332 = tpu.vector_load %arg10[%get3A_331] {strides = array<i32>} : memref<2048xf32, #tpu.memory_space<vmem>>, vector<16xf32>,
    %add3A_333 = arith.addf %add3A_330, %get3A_332 : vector<16xf32>
    %get3A_334 = arith.constant 592 : index
    %get3A_335 = tpu.vector_load %arg10[%get3A_334] {strides = array<i32>} : memref<2048xf32, #tpu.memory_space<vmem>>, vector<16xf32>,
    %add3A_336 = arith.addf %add3A_333, %get3A_335 : vector<16xf32>
    %get3A_337 = arith.constant 720 : index
    %get3A_338 = tpu.vector_load %arg10[%get3A_337] {strides = array<i32>} : memref<2048xf32, #tpu.memory_space<vmem>>, vector<16xf32>,
    %add3A_339 = arith.addf %add3A_336, %get3A_338 : vector<16xf32>
    %get3A_340 = arith.constant 848 : index
    %get3A_341 = tpu.vector_load %arg10[%get3A_340] {strides = array<i32>} : memref<2048xf32, #tpu.memory_space<vmem>>, vector<16xf32>,
    %add3A_342 = arith.addf %add3A_339, %get3A_341 : vector<16xf32>
    %get3A_343 = arith.constant 976 : index
    %get3A_344 = tpu.vector_load %arg10[%get3A_343] {strides = array<i32>} : memref<2048xf32, #tpu.memory_space<vmem>>, vector<16xf32>,
    %add3A_345 = arith.addf %add3A_342, %get3A_344 : vector<16xf32>
    %get3A_346 = arith.constant 1104 : index
    %get3A_347 = tpu.vector_load %arg10[%get3A_346] {strides = array<i32>} : memref<2048xf32, #tpu.memory_space<vmem>>, vector<16xf32>,
    %add3A_348 = arith.addf %add3A_345, %get3A_347 : vector<16xf32>
    %get3A_349 = arith.constant 1232 : index
    %get3A_350 = tpu.vector_load %arg10[%get3A_349] {strides = array<i32>} : memref<2048xf32, #tpu.memory_space<vmem>>, vector<16xf32>,
    %add3A_351 = arith.addf %add3A_348, %get3A_350 : vector<16xf32>
    %get3A_352 = arith.constant 1360 : index
    %get3A_353 = tpu.vector_load %arg10[%get3A_352] {strides = array<i32>} : memref<2048xf32, #tpu.memory_space<vmem>>, vector<16xf32>,
    %add3A_354 = arith.addf %add3A_351, %get3A_353 : vector<16xf32>
    %get3A_355 = arith.constant 1488 : index
    %get3A_356 = tpu.vector_load %arg10[%get3A_355] {strides = array<i32>} : memref<2048xf32, #tpu.memory_space<vmem>>, vector<16xf32>,
    %add3A_357 = arith.addf %add3A_354, %get3A_356 : vector<16xf32>
    %get3A_358 = arith.constant 1616 : index
    %get3A_359 = tpu.vector_load %arg10[%get3A_358] {strides = array<i32>} : memref<2048xf32, #tpu.memory_space<vmem>>, vector<16xf32>,
    %add3A_360 = arith.addf %add3A_357, %get3A_359 : vector<16xf32>
    %get3A_361 = arith.constant 1744 : index
    %get3A_362 = tpu.vector_load %arg10[%get3A_361] {strides = array<i32>} : memref<2048xf32, #tpu.memory_space<vmem>>, vector<16xf32>,
    %add3A_363 = arith.addf %add3A_360, %get3A_362 : vector<16xf32>
    %get3A_364 = arith.constant 1872 : index
    %get3A_365 = tpu.vector_load %arg10[%get3A_364] {strides = array<i32>} : memref<2048xf32, #tpu.memory_space<vmem>>, vector<16xf32>,
    %add3A_366 = arith.addf %add3A_363, %get3A_365 : vector<16xf32>
    %get3A_367 = arith.constant 2000 : index
    %get3A_368 = tpu.vector_load %arg10[%get3A_367] {strides = array<i32>} : memref<2048xf32, #tpu.memory_space<vmem>>, vector<16xf32>,
    %add3A_369 = arith.addf %add3A_366, %get3A_368 : vector<16xf32>
    %add3A_370 = arith.addf %add3A_369, %get3A_26 : vector<16xf32>
    %neg3A_371 = arith.constant 0.000000e+00 : f32
    %neg3A_372 = vector.broadcast %neg3A_371 : f32 to vector<16xf32>
    %neg3A_373 = arith.subf %neg3A_372, %add3A_370 : vector<16xf32>
    %exp3A_374 = math.exp %neg3A_373 : vector<16xf32>
    %add3A_375 = arith.constant 1.000000e+00 : f32
    %add3A_376 = vector.broadcast %add3A_375 : f32 to vector<16xf32>
    %add3A_377 = arith.addf %add3A_376, %exp3A_374 : vector<16xf32>
    %div3A_378 = arith.constant 1.000000e+00 : f32
    %div3A_379 = vector.broadcast %div3A_378 : f32 to vector<16xf32>
    %div3A_380 = arith.divf %div3A_379, %add3A_377 : vector<16xf32>
    %swap3A_381 = arith.constant 80 : index
    %swap3A_382 = tpu.vector_load %arg11[%swap3A_381] {strides = array<i32>} : memref<128xf32, #tpu.memory_space<vmem>>, vector<16xf32>,
    tpu.vector_store %arg11[%swap3A_381], %div3A_380 {strides = array<i32>} : memref<128xf32, #tpu.memory_space<vmem>>, vector<16xf32>,
    %get3A_383 = arith.constant 96 : index
    %get3A_384 = tpu.vector_load %arg10[%get3A_383] {strides = array<i32>} : memref<2048xf32, #tpu.memory_space<vmem>>, vector<16xf32>,
    %get3A_385 = arith.constant 224 : index
    %get3A_386 = tpu.vector_load %arg10[%get3A_385] {strides = array<i32>} : memref<2048xf32, #tpu.memory_space<vmem>>, vector<16xf32>,
    %add3A_387 = arith.addf %get3A_384, %get3A_386 : vector<16xf32>
    %get3A_388 = arith.constant 352 : index
    %get3A_389 = tpu.vector_load %arg10[%get3A_388] {strides = array<i32>} : memref<2048xf32, #tpu.memory_space<vmem>>, vector<16xf32>,
    %add3A_390 = arith.addf %add3A_387, %get3A_389 : vector<16xf32>
    %get3A_391 = arith.constant 480 : index
    %get3A_392 = tpu.vector_load %arg10[%get3A_391] {strides = array<i32>} : memref<2048xf32, #tpu.memory_space<vmem>>, vector<16xf32>,
    %add3A_393 = arith.addf %add3A_390, %get3A_392 : vector<16xf32>
    %get3A_394 = arith.constant 608 : index
    %get3A_395 = tpu.vector_load %arg10[%get3A_394] {strides = array<i32>} : memref<2048xf32, #tpu.memory_space<vmem>>, vector<16xf32>,
    %add3A_396 = arith.addf %add3A_393, %get3A_395 : vector<16xf32>
    %get3A_397 = arith.constant 736 : index
    %get3A_398 = tpu.vector_load %arg10[%get3A_397] {strides = array<i32>} : memref<2048xf32, #tpu.memory_space<vmem>>, vector<16xf32>,
    %add3A_399 = arith.addf %add3A_396, %get3A_398 : vector<16xf32>
    %get3A_400 = arith.constant 864 : index
    %get3A_401 = tpu.vector_load %arg10[%get3A_400] {strides = array<i32>} : memref<2048xf32, #tpu.memory_space<vmem>>, vector<16xf32>,
    %add3A_402 = arith.addf %add3A_399, %get3A_401 : vector<16xf32>
    %get3A_403 = arith.constant 992 : index
    %get3A_404 = tpu.vector_load %arg10[%get3A_403] {strides = array<i32>} : memref<2048xf32, #tpu.memory_space<vmem>>, vector<16xf32>,
    %add3A_405 = arith.addf %add3A_402, %get3A_404 : vector<16xf32>
    %get3A_406 = arith.constant 1120 : index
    %get3A_407 = tpu.vector_load %arg10[%get3A_406] {strides = array<i32>} : memref<2048xf32, #tpu.memory_space<vmem>>, vector<16xf32>,
    %add3A_408 = arith.addf %add3A_405, %get3A_407 : vector<16xf32>
    %get3A_409 = arith.constant 1248 : index
    %get3A_410 = tpu.vector_load %arg10[%get3A_409] {strides = array<i32>} : memref<2048xf32, #tpu.memory_space<vmem>>, vector<16xf32>,
    %add3A_411 = arith.addf %add3A_408, %get3A_410 : vector<16xf32>
    %get3A_412 = arith.constant 1376 : index
    %get3A_413 = tpu.vector_load %arg10[%get3A_412] {strides = array<i32>} : memref<2048xf32, #tpu.memory_space<vmem>>, vector<16xf32>,
    %add3A_414 = arith.addf %add3A_411, %get3A_413 : vector<16xf32>
    %get3A_415 = arith.constant 1504 : index
    %get3A_416 = tpu.vector_load %arg10[%get3A_415] {strides = array<i32>} : memref<2048xf32, #tpu.memory_space<vmem>>, vector<16xf32>,
    %add3A_417 = arith.addf %add3A_414, %get3A_416 : vector<16xf32>
    %get3A_418 = arith.constant 1632 : index
    %get3A_419 = tpu.vector_load %arg10[%get3A_418] {strides = array<i32>} : memref<2048xf32, #tpu.memory_space<vmem>>, vector<16xf32>,
    %add3A_420 = arith.addf %add3A_417, %get3A_419 : vector<16xf32>
    %get3A_421 = arith.constant 1760 : index
    %get3A_422 = tpu.vector_load %arg10[%get3A_421] {strides = array<i32>} : memref<2048xf32, #tpu.memory_space<vmem>>, vector<16xf32>,
    %add3A_423 = arith.addf %add3A_420, %get3A_422 : vector<16xf32>
    %get3A_424 = arith.constant 1888 : index
    %get3A_425 = tpu.vector_load %arg10[%get3A_424] {strides = array<i32>} : memref<2048xf32, #tpu.memory_space<vmem>>, vector<16xf32>,
    %add3A_426 = arith.addf %add3A_423, %get3A_425 : vector<16xf32>
    %get3A_427 = arith.constant 2016 : index
    %get3A_428 = tpu.vector_load %arg10[%get3A_427] {strides = array<i32>} : memref<2048xf32, #tpu.memory_space<vmem>>, vector<16xf32>,
    %add3A_429 = arith.addf %add3A_426, %get3A_428 : vector<16xf32>
    %add3A_430 = arith.addf %add3A_429, %get3A_26 : vector<16xf32>
    %neg3A_431 = arith.constant 0.000000e+00 : f32
    %neg3A_432 = vector.broadcast %neg3A_431 : f32 to vector<16xf32>
    %neg3A_433 = arith.subf %neg3A_432, %add3A_430 : vector<16xf32>
    %exp3A_434 = math.exp %neg3A_433 : vector<16xf32>
    %add3A_435 = arith.constant 1.000000e+00 : f32
    %add3A_436 = vector.broadcast %add3A_435 : f32 to vector<16xf32>
    %add3A_437 = arith.addf %add3A_436, %exp3A_434 : vector<16xf32>
    %div3A_438 = arith.constant 1.000000e+00 : f32
    %div3A_439 = vector.broadcast %div3A_438 : f32 to vector<16xf32>
    %div3A_440 = arith.divf %div3A_439, %add3A_437 : vector<16xf32>
    %swap3A_441 = arith.constant 96 : index
    %swap3A_442 = tpu.vector_load %arg11[%swap3A_441] {strides = array<i32>} : memref<128xf32, #tpu.memory_space<vmem>>, vector<16xf32>,
    tpu.vector_store %arg11[%swap3A_441], %div3A_440 {strides = array<i32>} : memref<128xf32, #tpu.memory_space<vmem>>, vector<16xf32>,
    %get3A_443 = arith.constant 112 : index
    %get3A_444 = tpu.vector_load %arg10[%get3A_443] {strides = array<i32>} : memref<2048xf32, #tpu.memory_space<vmem>>, vector<16xf32>,
    %get3A_445 = arith.constant 240 : index
    %get3A_446 = tpu.vector_load %arg10[%get3A_445] {strides = array<i32>} : memref<2048xf32, #tpu.memory_space<vmem>>, vector<16xf32>,
    %add3A_447 = arith.addf %get3A_444, %get3A_446 : vector<16xf32>
    %get3A_448 = arith.constant 368 : index
    %get3A_449 = tpu.vector_load %arg10[%get3A_448] {strides = array<i32>} : memref<2048xf32, #tpu.memory_space<vmem>>, vector<16xf32>,
    %add3A_450 = arith.addf %add3A_447, %get3A_449 : vector<16xf32>
    %get3A_451 = arith.constant 496 : index
    %get3A_452 = tpu.vector_load %arg10[%get3A_451] {strides = array<i32>} : memref<2048xf32, #tpu.memory_space<vmem>>, vector<16xf32>,
    %add3A_453 = arith.addf %add3A_450, %get3A_452 : vector<16xf32>
    %get3A_454 = arith.constant 624 : index
    %get3A_455 = tpu.vector_load %arg10[%get3A_454] {strides = array<i32>} : memref<2048xf32, #tpu.memory_space<vmem>>, vector<16xf32>,
    %add3A_456 = arith.addf %add3A_453, %get3A_455 : vector<16xf32>
    %get3A_457 = arith.constant 752 : index
    %get3A_458 = tpu.vector_load %arg10[%get3A_457] {strides = array<i32>} : memref<2048xf32, #tpu.memory_space<vmem>>, vector<16xf32>,
    %add3A_459 = arith.addf %add3A_456, %get3A_458 : vector<16xf32>
    %get3A_460 = arith.constant 880 : index
    %get3A_461 = tpu.vector_load %arg10[%get3A_460] {strides = array<i32>} : memref<2048xf32, #tpu.memory_space<vmem>>, vector<16xf32>,
    %add3A_462 = arith.addf %add3A_459, %get3A_461 : vector<16xf32>
    %get3A_463 = arith.constant 1008 : index
    %get3A_464 = tpu.vector_load %arg10[%get3A_463] {strides = array<i32>} : memref<2048xf32, #tpu.memory_space<vmem>>, vector<16xf32>,
    %add3A_465 = arith.addf %add3A_462, %get3A_464 : vector<16xf32>
    %get3A_466 = arith.constant 1136 : index
    %get3A_467 = tpu.vector_load %arg10[%get3A_466] {strides = array<i32>} : memref<2048xf32, #tpu.memory_space<vmem>>, vector<16xf32>,
    %add3A_468 = arith.addf %add3A_465, %get3A_467 : vector<16xf32>
    %get3A_469 = arith.constant 1264 : index
    %get3A_470 = tpu.vector_load %arg10[%get3A_469] {strides = array<i32>} : memref<2048xf32, #tpu.memory_space<vmem>>, vector<16xf32>,
    %add3A_471 = arith.addf %add3A_468, %get3A_470 : vector<16xf32>
    %get3A_472 = arith.constant 1392 : index
    %get3A_473 = tpu.vector_load %arg10[%get3A_472] {strides = array<i32>} : memref<2048xf32, #tpu.memory_space<vmem>>, vector<16xf32>,
    %add3A_474 = arith.addf %add3A_471, %get3A_473 : vector<16xf32>
    %get3A_475 = arith.constant 1520 : index
    %get3A_476 = tpu.vector_load %arg10[%get3A_475] {strides = array<i32>} : memref<2048xf32, #tpu.memory_space<vmem>>, vector<16xf32>,
    %add3A_477 = arith.addf %add3A_474, %get3A_476 : vector<16xf32>
    %get3A_478 = arith.constant 1648 : index
    %get3A_479 = tpu.vector_load %arg10[%get3A_478] {strides = array<i32>} : memref<2048xf32, #tpu.memory_space<vmem>>, vector<16xf32>,
    %add3A_480 = arith.addf %add3A_477, %get3A_479 : vector<16xf32>
    %get3A_481 = arith.constant 1776 : index
    %get3A_482 = tpu.vector_load %arg10[%get3A_481] {strides = array<i32>} : memref<2048xf32, #tpu.memory_space<vmem>>, vector<16xf32>,
    %add3A_483 = arith.addf %add3A_480, %get3A_482 : vector<16xf32>
    %get3A_484 = arith.constant 1904 : index
    %get3A_485 = tpu.vector_load %arg10[%get3A_484] {strides = array<i32>} : memref<2048xf32, #tpu.memory_space<vmem>>, vector<16xf32>,
    %add3A_486 = arith.addf %add3A_483, %get3A_485 : vector<16xf32>
    %get3A_487 = arith.constant 2032 : index
    %get3A_488 = tpu.vector_load %arg10[%get3A_487] {strides = array<i32>} : memref<2048xf32, #tpu.memory_space<vmem>>, vector<16xf32>,
    %add3A_489 = arith.addf %add3A_486, %get3A_488 : vector<16xf32>
    %add3A_490 = arith.addf %add3A_489, %get3A_26 : vector<16xf32>
    %neg3A_491 = arith.constant 0.000000e+00 : f32
    %neg3A_492 = vector.broadcast %neg3A_491 : f32 to vector<16xf32>
    %neg3A_493 = arith.subf %neg3A_492, %add3A_490 : vector<16xf32>
    %exp3A_494 = math.exp %neg3A_493 : vector<16xf32>
    %add3A_495 = arith.constant 1.000000e+00 : f32
    %add3A_496 = vector.broadcast %add3A_495 : f32 to vector<16xf32>
    %add3A_497 = arith.addf %add3A_496, %exp3A_494 : vector<16xf32>
    %div3A_498 = arith.constant 1.000000e+00 : f32
    %div3A_499 = vector.broadcast %div3A_498 : f32 to vector<16xf32>
    %div3A_500 = arith.divf %div3A_499, %add3A_497 : vector<16xf32>
    %swap3A_501 = arith.constant 112 : index
    %swap3A_502 = tpu.vector_load %arg11[%swap3A_501] {strides = array<i32>} : memref<128xf32, #tpu.memory_space<vmem>>, vector<16xf32>,
    tpu.vector_store %arg11[%swap3A_501], %div3A_500 {strides = array<i32>} : memref<128xf32, #tpu.memory_space<vmem>>, vector<16xf32>,
    %mul3A_503 = arith.constant 128 : i32
    %mul3A_504 = arith.muli %add3A, %mul3A_503 : i32
    "tpu.region"() ({
      %run_scoped3A = tpu.sem_alloc : memref<!tpu.dma_semaphore, #tpu.memory_space<semaphore_mem>>
      %dma_start3A = tpu.memref_slice %arg6[%mul3A_504] : memref<4096xf32, #tpu.memory_space<hbm>> -> memref<128xf32, #tpu.memory_space<hbm>>
      %dma_start3A_505 = tpu.memref_slice %arg6[%mul3A_504] : memref<4096xf32, #tpu.memory_space<hbm>> -> memref<128xf32, #tpu.memory_space<hbm>>
      tpu.enqueue_dma source(%arg11 : memref<128xf32, #tpu.memory_space<vmem>>) target(%dma_start3A_505 : memref<128xf32, #tpu.memory_space<hbm>>) target_semaphore(%run_scoped3A : memref<!tpu.dma_semaphore, #tpu.memory_space<semaphore_mem>>)
      %dma_wait3A_506 = tpu.memref_slice %arg6[%mul3A_504] : memref<4096xf32, #tpu.memory_space<hbm>> -> memref<128xf32, #tpu.memory_space<hbm>>
      %dma_wait3A_507 = tpu.memref_slice %arg6[%mul3A_504] : memref<4096xf32, #tpu.memory_space<hbm>> -> memref<128xf32, #tpu.memory_space<hbm>>
      tpu.wait_dma2 semaphore(%run_scoped3A : memref<!tpu.dma_semaphore, #tpu.memory_space<semaphore_mem>>) src(%arg11 : memref<128xf32, #tpu.memory_space<vmem>>) dst(%dma_wait3A_507 : memref<128xf32, #tpu.memory_space<hbm>>)
      tpu.yield
    }) : () -> ()
    return
  }
}

</mosaic_0001>

<sc_bundles>
// kernel: kernel.3.cloned.1.call-start
scs
__scs_entry_jumppad:
0x0: {  	(pc) =	sbr.rel $0x88, $3  }
0x1: {  	(tag) =	ssettag $0x0;
	lr =	simm.s32 $0x1  }
0x2: {  	[smem:$0x3F9D] =	sst lr;
	_ =	strace $0xD0000000  }
0x3: {  	_ = 	snop  }
0x4: {  	_ = 	snop  }
0x5: {  	_ = 	snop  }
0x6: {  	_ = 	snop  }
0x7: {  	_ = 	snop  }
__scs_overlays_trampoline_lowered:
0x8: {  	[smem:$0x3FAC] =	sst s0  }
0x9: {  	[smem:$0x3FAD] =	sst s1  }
0xa: {  	[smem:$0x3FAE] =	sst s2  }
0xb: {  	[smem:$0x3FAF] =	sst s3  }
0xc: {  	[smem:$0x3FB0] =	sst s4  }
0xd: {  	[smem:$0x3FB1] =	sst s5  }
0xe: {  	[smem:$0x3FB2] =	sst s6  }
0xf: {  	[smem:$0x3FB3] =	sst s7  }
0x10: {  	[smem:$0x3FB4] =	sst s8  }
0x11: {  	[smem:$0x3FB5] =	sst s9;
	s0 =	simm.s32 @!p0 $0x0  }
0x12: {  	s1 =	sld [smem:$0x3F9B];
	s0 =	simm.s32 @p0 $0x1  }
0x13: {  	[smem:$0x3FB6] =	sst s0;
	s0 =	simm.s32 @!p1 $0x0  }
0x14: {  	s2 =	sld [smem:$0x3F9A];
	s0 =	simm.s32 @p1 $0x1  }
0x15: {  	[smem:$0x3FB7] =	sst s0;
	s0 =	simm.s32 @!p2 $0x0  }
0x16: {  	s3 =	sld [smem:$0x3FDB];
	s0 =	simm.s32 @p2 $0x1  }
0x17: {  	s4 =	simm.s32 $0x1BF5;
	[smem:$0x3FB9] =	sst s0  }
0x18: {  	s0 =	sld [smem:$0x3F9C];
	_ =	swait.ge [sflag:s4], $0x0  }
0x19: {  	s7 =	sld [smem:$0x3F9D]  }
0x1a: {  	s8 =	sadd.s32 $0xFFFFE003, lr  }
0x1b: {  	s9 =	sadd.s32 $0xFFFFFEF7, lr;
	s5 =	simm.s32 $0xFFFFFFFF;
	p2 =	slt.u32 s8, $0xFFFFF086  }
0x1c: {  	p1 =	slt.u32 s9, $0xF7A;
	s5 =	simm.s32 @!p2 $0x0  }
0x1d: {  	s5 =	simm.s32 @p1 $0x1;
	p0 =	seq.s32 s7, s2  }
0x1e: {  	s7 =	smul.u32 @!p0 $0xF7A, s2;
	p2 =	seq.s32 @!p0 s5, $0x0  }
0x1f: {  	s9 =	smul.u32 $0xF7A, s1;
	s8 =	simm.s32 @!p0 $0x1BF5;
	p2 =	por !p2, p0  }
0x20: {  	[sflag:s8] =	ssyncset.s32 @!p0 $0xFFFFF086;
	s6 =	sadd.s32 @!p0 s3, s7;
	s7 =	simm.s32 @!p0 $0x108  }
0x21: {  	s3 =	sadd.s32 s3, s9;
	s6 =	sadd.s32 @!p0 $0x88, s6;
	s7 =	simm.s32 @p2 $0x1082  }
0x22: {  	[simem:s7], [sflag:s8] =	dma.local @!p0 [hbm:s6], $0xF7A  }
0x23: {  	s9 =	sor.u32 $0xD0000000, s2;
	s6 =	simm.s32 $0x108;
	_ =	swait.ge @!p0 [sflag:s8], $0x0  }
0x24: {  	s3 =	sadd.s32 $0x88, s3;
	s6 =	simm.s32 @!p1 $0x1082;
	[sflag:s4] =	ssyncset.s32 $0xFFFFF086  }
0x25: {  	[simem:s6], [sflag:s4] =	dma.local [hbm:s3], $0xF7A  }
0x26: {  	[smem:$0x3F9D] =	sst s1;
	(tag) =	ssettag s2;
	_ =	strace s9  }
0x27: {  	s1 =	sld [smem:$0x3FAD]  }
0x28: {  	s2 =	sld [smem:$0x3FAE]  }
0x29: {  	s4 =	sld [smem:$0x3FB0]  }
0x2a: {  	p0 =	seq.s32 s5, $0x0;
	s5 =	sld [smem:$0x3FB1]  }
0x2b: {  	s6 =	sld [smem:$0x3FB2]  }
0x2c: {  	s7 =	sld [smem:$0x3FB3]  }
0x2d: {  	s3 =	simm.s32 $0x108;
	s8 =	sld [smem:$0x3FB4]  }
0x2e: {  	s3 =	simm.s32 @!p0 $0x1082;
	s9 =	sld [smem:$0x3FB5]  }
0x2f: {  	lr =	sadd.s32 s0, s3;
	s0 =	sld [smem:$0x3FAC]  }
0x30: {  	s3 =	sld [smem:$0x3FAF]  }
0x31: {  	[smem:$0x3FB8] =	sst s10  }
0x32: {  	s10 =	sld [smem:$0x3FB6];
	_ =	sdelay $0x3  }
0x33: {  	p0 =	seq.s32 s10, $0x1;
	s10 =	sld [smem:$0x3FB8];
	_ =	sdelay $0x3  }
0x34: {  	[smem:$0x3FB8] =	sst s10  }
0x35: {  	s10 =	sld [smem:$0x3FB7];
	_ =	sdelay $0x3  }
0x36: {  	p1 =	seq.s32 s10, $0x1;
	s10 =	sld [smem:$0x3FB8];
	_ =	sdelay $0x3  }
0x37: {  	[smem:$0x3FB8] =	sst s10  }
0x38: {  	s10 =	sld [smem:$0x3FB9]  }
0x39: {  	_ = 	snop;
	(pc) =	sbr.ind lr, $3  }
0x3a: {  	_ = 	snop  }
0x3b: {  	_ = 	snop  }
0x3c: {  	p2 =	seq.s32 s10, $0x1;
	s10 =	sld [smem:$0x3FB8]  }
0x3d: {  	_ =	shalt  }
0x3e: {  	_ =	shalt  }
0x3f: {  	_ =	shalt  }
0x40: {  	_ =	shalt  }
0x41: {  	_ =	shalt  }
0x42: {  	_ =	shalt  }
0x43: {  	_ =	shalt  }
0x44: {  	_ =	shalt  }
0x45: {  	_ =	shalt  }
0x46: {  	_ =	shalt  }
0x47: {  	_ =	shalt  }
0x48: {  	_ =	shalt  }
0x49: {  	_ =	shalt  }
0x4a: {  	_ =	shalt  }
0x4b: {  	_ =	shalt  }
0x4c: {  	_ =	shalt  }
0x4d: {  	_ =	shalt  }
0x4e: {  	_ =	shalt  }
0x4f: {  	_ =	shalt  }
0x50: {  	_ =	shalt  }
0x51: {  	_ =	shalt  }
0x52: {  	_ =	shalt  }
0x53: {  	_ =	shalt  }
0x54: {  	_ =	shalt  }
0x55: {  	_ =	shalt  }
0x56: {  	_ =	shalt  }
0x57: {  	_ =	shalt  }
0x58: {  	_ =	shalt  }
0x59: {  	_ =	shalt  }
0x5a: {  	_ =	shalt  }
0x5b: {  	_ =	shalt  }
0x5c: {  	_ =	shalt  }
0x5d: {  	_ =	shalt  }
0x5e: {  	_ =	shalt  }
0x5f: {  	_ =	shalt  }
0x60: {  	_ =	shalt  }
0x61: {  	_ =	shalt  }
0x62: {  	_ =	shalt  }
0x63: {  	_ =	shalt  }
0x64: {  	_ =	shalt  }
0x65: {  	_ =	shalt  }
0x66: {  	_ =	shalt  }
0x67: {  	_ =	shalt  }
0x68: {  	_ =	shalt  }
0x69: {  	_ =	shalt  }
0x6a: {  	_ =	shalt  }
0x6b: {  	_ =	shalt  }
0x6c: {  	_ =	shalt  }
0x6d: {  	_ =	shalt  }
0x6e: {  	_ =	shalt  }
0x6f: {  	_ =	shalt  }
0x70: {  	_ =	shalt  }
0x71: {  	_ =	shalt  }
0x72: {  	_ =	shalt  }
0x73: {  	_ =	shalt  }
0x74: {  	_ =	shalt  }
0x75: {  	_ =	shalt  }
0x76: {  	_ =	shalt  }
0x77: {  	_ =	shalt  }
0x78: {  	_ =	shalt  }
0x79: {  	_ =	shalt  }
0x7a: {  	_ =	shalt  }
0x7b: {  	_ =	shalt  }
0x7c: {  	_ =	shalt  }
0x7d: {  	_ =	shalt  }
0x7e: {  	_ =	shalt  }
0x7f: {  	_ =	shalt  }
0x80: {  	_ =	shalt  }
0x81: {  	_ =	shalt  }
0x82: {  	_ =	shalt  }
0x83: {  	_ =	shalt  }
0x84: {  	_ =	shalt  }
0x85: {  	_ =	shalt  }
0x86: {  	_ =	shalt  }
0x87: {  	_ =	shalt  }
.Lfunc_end0:
.L_simem_size_0:
called_computation_lowered:
.L_overlay_start_0:
0x88: {  	s2 =	sld [smem:$0x3FD9]  }
0x89: {  	s3 =	sld [smem:$0x3FFE];
	_ =	sdelay $0x1  }
0x8a: {  	s1 =	srdreg.scid  }
0x8b: {  	s0 =	sand.u32 $0x1, s1  }
0x8c: {  	s17 =	sshll.u32 s0, $0xA;
	s2 =	sadd.s32 s3, s2  }
0x8d: {  	s2 =	sadd.s32 s2, s17  }
0x8e: {  	[smem:$0x3FC4] =	sst s2  }
0x8f: {  	_ = 	snop  }
0x90: {  	s2 =	sld [smem:$0x3FD0];
	(tm) =	ssettm $0x1  }
0x91: {  	s18 =	sld [smem:$0x3FFB];
	_ =	sdelay $0x3  }
0x92: {  	_ =	strace s18  }
0x93: {  	s3 =	sld [smem:$0x3FFC];
	_ =	sdelay $0x3  }
0x94: {  	_ =	strace s3  }
0x95: {  	s3 =	sld [smem:$0x3FFD];
	_ =	sdelay $0x3  }
0x96: {  	_ =	strace s3  }
0x97: {  	_ =	strace $0x8FFFFFFF  }
0x98: {  	s19 =	sld [smem:$0x3FDB];
	_ =	sdelay $0x1  }
0x99: {  	s4 =	simm.s32 $_scs_section_size  }
0x9a: {  	s5 =	simm.s32 $_size__tile_overlayer_lowered;
	s6 =	simm.s32 $_tile_overlayer_lowered  }
0x9b: {  	s22 =	simm.s32 $0x1BFF;
	s21 =	sshll.u32 s6, $0x1;
	s3 =	sadd.s32 s4, s19  }
0x9c: {  	s7 =	simm.s32 $0x0;
	s20 =	sshll.u32 s5, $0x1;
	s5 =	sadd.s32 s21, s3  }
0x9d: {  	[timem:s7], [sflag:s22] =	dma.local [hbm:s5], s20  }
0x9e: {  	_ =	swait.ge [sflag:s22], s20  }
0x9f: {  	s4 =	ssub.s32 $0x0, s20;
	[sflag:s22] =	ssyncset.done $0x0  }
0xa0: {  	[sflag:s22] =	ssyncadd.s32 s4;
	_ =	sdelay $0x1  }
0xa1: {  	s23 =	simm.s32 $0x1B8B  }
0xa2: {  	_ =	swait.ge [sflag:s23], $0x1  }
0xa3: {  	[sflag:s23] =	ssyncset.done $0x0  }
0xa4: {  	s25 =	simm.s32 $0x1B8E;
	s24 =	sld [smem:$0x3FFE];
	[sflag:s23] =	ssyncadd.s32 $0xFFFFFFFF  }
0xa5: {  	s26 =	simm.s32 $execute0_lowered;
	[smem:$0x3FD2] =	sst s25  }
0xa6: {  	s5 =	sshll.u32 s26, $0x1;
	_ =	strace $0x80000046;
	[dreg:$0x1] =	wrdreg $0xFFFFFFFF  }
0xa7: {  	s28 =	simm.s32 $_size_execute0_lowered;
	s3 =	sadd.s32 s3, s5;
	[dreg:$0x0] =	wrdreg $0x0  }
0xa8: {  	s5 =	sshll.u32 s28, $0x1;
	[dreg:$0x2] =	wrdreg s3  }
0xa9: {  	[dreg:$0x3] =	wrdreg s5  }
0xaa: {  	[dreg:$0x4] =	wrdreg $0xC0  }
0xab: {  	_ =	task [dreg:s7], $0x5FFFF  }
0xac: {  	[dreg:$0x1] =	wrdreg $0xFFFFFFFF  }
0xad: {  	[dreg:$0x0] =	wrdreg $0x60  }
0xae: {  	[dreg:$0x2] =	wrdreg s24  }
0xaf: {  	[dreg:$0x3] =	wrdreg s2  }
0xb0: {  	[dreg:$0x4] =	wrdreg $0x9  }
0xb1: {  	_ =	task.clear_ibuf [dreg:s7], $0x5FFFF;
	_ =	strace $0x90000046  }
0xb2: {  	s29 =	simm.s32 $0x9;
	_ =	strace $0x80000048  }
0xb3: {  	_ =	swait.ge [sflag:s29], $0x1  }
0xb4: {  	[sflag:s29] =	ssyncadd.s32 $0xFFFFFFFF  }
0xb5: {  	_ =	strace $0x90000048  }
0xb6: {  	_ =	sfence  }
0xb7: {  	s30 =	sld [smem:$0x0];
	_ =	sdelay $0x2  }
0xb8: {  	s31 =	sshll.u32 s1, $0xD;
	s1 =	sshrl.u32 s1, $0x2  }
0xb9: {  	s3 =	sand.u32 $0x4000, s31;
	s1 =	sadd.s32 s1, s30  }
0xba: {  	s0 =	sor.u32 s3, s0;
	s1 =	sshll.u32 s1, $0x11  }
0xbb: {  	s0 =	sor.u32 s1, s0  }
0xbc: {  	s0 =	sadd.s32 $0x8F2B, s0  }
0xbd: {  	[sflag:s0] =	ssyncadd.remote.s32 $0x1  }
0xbe: {  	_ =	sfence.sel $0xFFFF  }
0xbf: {  	[dreg:$0x0] =	wrdreg $0xFFFFFFFF;
	(pc) =	sbr.abs _section_cstart, $3  }
0xc0: {  	[dreg:$0x1] =	wrdreg $0xFFFFFFFF  }
0xc1: {  	_ =	task.clear_ibuf [dreg:s7], $0x2FFFF;
	_ =	strace $0x9FFFFFFF  }
0xc2: {  	(tm) =	ssettm $0x7FFFFFFF  }
0xc3: {  	_ =	shalt  }
tec
execute0_lowered:
.L_overlay_start_1:
0x0: {  	(tag) =	ssettag $0x1  }
0x1: {  	s5 =	rddreg [dreg:$0x0]  }
0x2: {  	s1 =	srdreg.scid;
	s0 =	stileid.u32  }
0x3: {  	s7 =	rddreg [dreg:$0x1];
	s2 =	simm.s32 $0x0;
	s11 =	simm.s32 $0x80  }
0x4: {  	s12 =	simm.s32 $0x1;
	s13 =	simm.s32 $0x1BA00;
	s14 =	simm.s32 $0x1C200  }
0x5: {  	s4 =	sand.u32 $0x1, s1;
	s3 =	sshll.u32 s0, $0x1;
	s1 =	rddreg [dreg:$0x2]  }
0x6: {  	s15 =	simm.s32 $0x0;
	[smem:$0x7FF] =	sst s2;
	s8 =	sor.u32 s4, s3  }
0x7: {  	_ =	strace $0x80000047;
	s9 =	ssub.s32 $0x2, s4;
	s4 =	sadd.s32 $0x22200, s5  }
0x8: {  	s3 =	smul.u32 $0x1A0, s8;
	s10 =	sshrl.u32 s9, $0x1;
	s8 =	sshll.u32 s8, $0x4  }
0x9: {  	s9 =	ssub.s32 s9, s10;
	s7 =	sadd.s32 s7, s8;
	s10 =	simm.s32 $0x1C280  }
0xa: {  	v0 =	vimm.f32 $0.0e+00;
	vm0 =	vcmask $0x2700;
	v1 =	vlaneseq.u32;
	s6 =	sadd.s32 s3, s5;
	s3 =	sadd.s32 $0x3800, s5;
	s5 =	sadd.s32 $0xF42800, s5  }
0xb: {  	v0 =	vsel vm0, $0x3F800000, v0;
	v1 =	vmul.u32 $0x80, v1;
	s8 =	smax.u32 s9, $0x1;
	s9 =	simm.s32 $0x2;
	s6 =	sadd.s32 $0x400, s6  }
.LBB2_1:
0xc: {  	[tilespmem:s2], [sflag:$0x2] =	stream.linear.gather [hbm4b:s6+s2], $0xD00, $0x38;
	[tilespmem:$0x1C290] =	vst v63  }
0xd: {  	_ =	swait.ge [sflag:s9], $0xD00  }
0xe: {  	[sflag:s9] =	ssyncset.done $0x0  }
0xf: {  	[sflag:s9] =	ssyncadd.s32 $0xFFFFF300  }
0x10: {  	[tilespmem:s10], [sflag:$0x2] =	stream.linear.gather [hbm4b:s4+s2], $0x10, $0x38;
	[tilespmem:$0x1C290] =	vst v63  }
0x11: {  	_ =	swait.ge [sflag:s9], $0x10  }
0x12: {  	[sflag:s9] =	ssyncset.done $0x0  }
0x13: {  	s16 =	simm.s32 $0xD00;
	s18 =	simm.s32 $0x0;
	[sflag:s9] =	ssyncadd.s32 $0xFFFFFFF0  }
0x14: {  	[tilespmem:s16], [sflag:$0x1] =	stream.indirect.gather [hbm4b:s5+s11], $0x20, s18, s11, $0xb8;
	[tilespmem:$0x1C290] =	vst v63  }
0x15: {  	s19 =	simm.s32 $0x1AD00;
	s17 =	simm.s32 $0x1D00;
	s16 =	simm.s32 $0x200  }
.LBB2_2:
0x16: {  	[tilespmem:s19], [sflag:$0x1] =	stream.indirect.gather [hbm4b:s3+s11], $0x1, s18, s11, $0xb8;
	[tilespmem:$0x1C290] =	vst v63  }
0x17: {  	s18 =	smov.u32 s16;
	p0 =	sne.s32 s16, $0x3200  }
.Ltmp0:
0x18: {  	s16 =	sadd.s32 $0x200, s16;
	(pc) =	sbr.rel @p0 .LBB2_2-.Ltmp0, $4  }
0x19: {  	_ = 	snop  }
0x1a: {  	s18 =	sshra.s32 s18, $0x2  }
0x1b: {  	[tilespmem:s17], [sflag:$0x1] =	stream.indirect.gather [hbm4b:s5+s11], $0x20, s18, s11, $0xb8;
	[tilespmem:$0x1C290] =	vst v63  }
0x1c: {  	s19 =	sadd.s32 $0x1AD00, s18;
	s17 =	sadd.s32 $0x1000, s17  }
0x1d: {  	[tilespmem:s19], [sflag:$0x1] =	stream.indirect.gather [hbm4b:s3+s11], $0x1, s18, s11, $0xb8;
	[tilespmem:$0x1C290] =	vst v63  }
0x1e: {  	_ =	swait.ge [sflag:s12], $0x1A000  }
0x1f: {  	[sflag:s12] =	ssyncset.done $0x0  }
0x20: {  	[sflag:s12] =	ssyncadd.s32 $0xFFFE6000  }
0x21: {  	_ =	swait.ge [sflag:s12], $0xD00  }
0x22: {  	[sflag:s12] =	ssyncset.done $0x0  }
0x23: {  	s16 =	simm.s32 $0xEA0;
	[sflag:s12] =	ssyncadd.s32 $0xFFFFF300  }
0x24: {  	v2 =	vld [tilespmem:s16+$0xFFFFFE60]  }
0x25: {  	v3 =	vld [tilespmem:s16+$0xFFFFFE70];
	_ =	sdelay $0x1  }
0x26: {  	v4 =	vld [tilespmem:s16+$0xFFFFFE80];
	_ =	sdelay $0x1  }
0x27: {  	v5 =	vld [tilespmem:s16+$0xFFFFFE90]  }
0x28: {  	v6 =	vmul.f32 v2, v2;
	v7 =	vmul.f32 v3, v3  }
0x29: {  	v8 =	vld [tilespmem:s16+$0xFFFFFEA0]  }
0x2a: {  	v30 =	vmul.f32 v4, v4;
	v6 =	vadd.f32 v7, v6  }
0x2b: {  	v9 =	vld [tilespmem:s16+$0xFFFFFEB0]  }
0x2c: {  	v31 =	vmul.f32 v5, v5;
	v6 =	vadd.f32 v30, v6  }
0x2d: {  	v10 =	vld [tilespmem:s16+$0xFFFFFEC0]  }
0x2e: {  	v32 =	vmul.f32 v8, v8;
	v6 =	vadd.f32 v31, v6  }
0x2f: {  	v11 =	vld [tilespmem:s16+$0xFFFFFED0]  }
0x30: {  	v33 =	vmul.f32 v9, v9;
	v6 =	vadd.f32 v32, v6  }
0x31: {  	v12 =	vld [tilespmem:s16+$0xFFFFFEE0]  }
0x32: {  	v34 =	vmul.f32 v10, v10;
	v6 =	vadd.f32 v33, v6  }
0x33: {  	v13 =	vld [tilespmem:s16+$0xFFFFFEF0]  }
0x34: {  	v35 =	vmul.f32 v11, v11;
	v6 =	vadd.f32 v34, v6  }
0x35: {  	v14 =	vld [tilespmem:s16+$0xFFFFFF00]  }
0x36: {  	v36 =	vmul.f32 v12, v12;
	v6 =	vadd.f32 v35, v6  }
0x37: {  	v15 =	vld [tilespmem:s16+$0xFFFFFF10]  }
0x38: {  	v37 =	vmul.f32 v13, v13;
	v6 =	vadd.f32 v36, v6  }
0x39: {  	v16 =	vld [tilespmem:s16+$0xFFFFFF20]  }
0x3a: {  	v38 =	vmul.f32 v14, v14;
	v6 =	vadd.f32 v37, v6  }
0x3b: {  	v17 =	vld [tilespmem:s16+$0xFFFFFF30]  }
0x3c: {  	v39 =	vmul.f32 v15, v15;
	v6 =	vadd.f32 v38, v6  }
0x3d: {  	v18 =	vld [tilespmem:s16+$0xFFFFFF40]  }
0x3e: {  	v40 =	vmul.f32 v16, v16;
	v6 =	vadd.f32 v39, v6  }
0x3f: {  	v19 =	vld [tilespmem:s16+$0xFFFFFF50]  }
0x40: {  	v41 =	vmul.f32 v17, v17;
	v6 =	vadd.f32 v40, v6  }
0x41: {  	v20 =	vld [tilespmem:s16+$0xFFFFFF60]  }
0x42: {  	v42 =	vmul.f32 v18, v18;
	v6 =	vadd.f32 v41, v6  }
0x43: {  	v21 =	vld [tilespmem:s16+$0xFFFFFF70]  }
0x44: {  	v43 =	vmul.f32 v19, v19;
	v6 =	vadd.f32 v42, v6  }
0x45: {  	v22 =	vld [tilespmem:s16+$0xFFFFFF80]  }
0x46: {  	v44 =	vmul.f32 v20, v20;
	v6 =	vadd.f32 v43, v6  }
0x47: {  	v23 =	vld [tilespmem:s16+$0xFFFFFF90]  }
0x48: {  	v45 =	vmul.f32 v21, v21;
	v6 =	vadd.f32 v44, v6  }
0x49: {  	v24 =	vld [tilespmem:s16+$0xFFFFFFA0]  }
0x4a: {  	v46 =	vmul.f32 v22, v22;
	v6 =	vadd.f32 v45, v6  }
0x4b: {  	v25 =	vld [tilespmem:s16+$0xFFFFFFB0]  }
0x4c: {  	v47 =	vmul.f32 v23, v23;
	v6 =	vadd.f32 v46, v6  }
0x4d: {  	v26 =	vld [tilespmem:s16+$0xFFFFFFC0]  }
0x4e: {  	v48 =	vmul.f32 v24, v24;
	v6 =	vadd.f32 v47, v6  }
0x4f: {  	v27 =	vld [tilespmem:s16+$0xFFFFFFD0]  }
0x50: {  	v49 =	vmul.f32 v25, v25;
	v6 =	vadd.f32 v48, v6  }
0x51: {  	v28 =	vld [tilespmem:s16+$0xFFFFFFE0]  }
0x52: {  	v50 =	vmul.f32 v26, v26;
	v6 =	vadd.f32 v49, v6  }
0x53: {  	v29 =	vld [tilespmem:s16+$0xFFFFFFF0]  }
0x54: {  	v51 =	vmul.f32 v27, v27;
	v6 =	vadd.f32 v50, v6  }
0x55: {  	v30 =	vld [tilespmem:s16+$0x0]  }
0x56: {  	v52 =	vmul.f32 v28, v28;
	v6 =	vadd.f32 v51, v6  }
0x57: {  	v31 =	vld [tilespmem:s16+$0x10]  }
0x58: {  	v53 =	vmul.f32 v29, v29;
	v6 =	vadd.f32 v52, v6  }
0x59: {  	v2 =	vadd.f32 v4, v2;
	v4 =	vld [tilespmem:s16+$0x20]  }
0x5a: {  	v3 =	vadd.f32 v5, v3;
	v54 =	vmul.f32 v30, v30;
	v5 =	vadd.f32 v53, v6  }
0x5b: {  	v55 =	vld [tilespmem:s16+$0x30];
	v2 =	vadd.f32 v8, v2  }
0x5c: {  	v3 =	vadd.f32 v9, v3;
	v56 =	vmul.f32 v31, v31;
	v5 =	vadd.f32 v54, v5  }
0x5d: {  	v57 =	vld [tilespmem:s16+$0x40];
	v2 =	vadd.f32 v10, v2  }
0x5e: {  	v3 =	vadd.f32 v11, v3;
	v58 =	vmul.f32 v4, v4;
	v5 =	vadd.f32 v56, v5  }
0x5f: {  	v59 =	vld [tilespmem:s16+$0x50];
	v2 =	vadd.f32 v12, v2  }
0x60: {  	v60 =	vmul.f32 v55, v55;
	v3 =	vadd.f32 v13, v3;
	v5 =	vadd.f32 v58, v5  }
0x61: {  	v61 =	vld [tilespmem:s16+$0x60];
	v2 =	vadd.f32 v14, v2  }
0x62: {  	v62 =	vmul.f32 v57, v57;
	v3 =	vadd.f32 v15, v3;
	v5 =	vadd.f32 v60, v5  }
0x63: {  	v63 =	vld [tilespmem:s16+$0x70];
	v2 =	vadd.f32 v16, v2  }
0x64: {  	v32 =	vmul.f32 v59, v59;
	v3 =	vadd.f32 v17, v3;
	v5 =	vadd.f32 v62, v5  }
0x65: {  	v33 =	vld [tilespmem:s16+$0x80];
	v2 =	vadd.f32 v18, v2  }
0x66: {  	v3 =	vadd.f32 v19, v3;
	v34 =	vmul.f32 v61, v61;
	v5 =	vadd.f32 v32, v5  }
0x67: {  	v2 =	vadd.f32 v20, v2;
	v35 =	vld [tilespmem:s16+$0x90]  }
0x68: {  	v3 =	vadd.f32 v21, v3;
	v36 =	vmul.f32 v63, v63;
	v5 =	vadd.f32 v34, v5  }
0x69: {  	v2 =	vadd.f32 v22, v2;
	v37 =	vld [tilespmem:s16+$0xA0]  }
0x6a: {  	v3 =	vadd.f32 v23, v3;
	v38 =	vmul.f32 v33, v33;
	v5 =	vadd.f32 v36, v5  }
0x6b: {  	v2 =	vadd.f32 v24, v2;
	v39 =	vld [tilespmem:s16+$0xB0]  }
0x6c: {  	v3 =	vadd.f32 v25, v3;
	v40 =	vmul.f32 v35, v35;
	v5 =	vadd.f32 v38, v5  }
0x6d: {  	v2 =	vadd.f32 v26, v2;
	v41 =	vld [tilespmem:s16+$0xC0]  }
0x6e: {  	v3 =	vadd.f32 v27, v3;
	v42 =	vmul.f32 v37, v37;
	v5 =	vadd.f32 v40, v5  }
0x6f: {  	v2 =	vadd.f32 v28, v2;
	v43 =	vld [tilespmem:s16+$0xD0]  }
0x70: {  	v3 =	vadd.f32 v29, v3;
	v44 =	vmul.f32 v39, v39;
	v5 =	vadd.f32 v42, v5  }
0x71: {  	v2 =	vadd.f32 v30, v2;
	v45 =	vld [tilespmem:s16+$0xE0]  }
0x72: {  	v3 =	vadd.f32 v31, v3;
	v46 =	vmul.f32 v41, v41;
	v5 =	vadd.f32 v44, v5  }
0x73: {  	v2 =	vadd.f32 v4, v2;
	v4 =	vld [tilespmem:s16+$0xF0]  }
0x74: {  	v3 =	vadd.f32 v55, v3;
	v47 =	vmul.f32 v43, v43;
	v5 =	vadd.f32 v46, v5  }
0x75: {  	v2 =	vadd.f32 v57, v2;
	v48 =	vld [tilespmem:s16+$0x100]  }
0x76: {  	v3 =	vadd.f32 v59, v3;
	v49 =	vmul.f32 v45, v45;
	v5 =	vadd.f32 v47, v5  }
0x77: {  	v2 =	vadd.f32 v61, v2;
	v50 =	vld [tilespmem:s16+$0x110]  }
0x78: {  	v3 =	vadd.f32 v63, v3;
	v51 =	vmul.f32 v4, v4;
	v5 =	vadd.f32 v49, v5  }
0x79: {  	v2 =	vadd.f32 v33, v2;
	v52 =	vld [tilespmem:s16+$0x120]  }
0x7a: {  	v3 =	vadd.f32 v35, v3;
	v53 =	vmul.f32 v48, v48;
	v5 =	vadd.f32 v51, v5  }
0x7b: {  	v2 =	vadd.f32 v37, v2;
	v54 =	vld [tilespmem:s16+$0x130]  }
0x7c: {  	v3 =	vadd.f32 v39, v3;
	v55 =	vmul.f32 v50, v50;
	v5 =	vadd.f32 v53, v5  }
0x7d: {  	v2 =	vadd.f32 v41, v2;
	v56 =	vld [tilespmem:s16+$0x140]  }
0x7e: {  	v3 =	vadd.f32 v43, v3;
	v57 =	vmul.f32 v52, v52;
	v5 =	vadd.f32 v55, v5  }
0x7f: {  	v2 =	vadd.f32 v45, v2;
	v58 =	vld [tilespmem:s16+$0x150]  }
0x80: {  	v3 =	vadd.f32 v4, v3;
	v4 =	vadd.f32 v57, v5;
	v5 =	vmul.f32 v54, v54  }
0x81: {  	v59 =	vld [tilespmem:s16+$0x160];
	v2 =	vadd.f32 v48, v2  }
0x82: {  	v3 =	vadd.f32 v50, v3;
	v4 =	vadd.f32 v5, v4;
	v5 =	vmul.f32 v56, v56  }
0x83: {  	v2 =	vadd.f32 v52, v2;
	v60 =	vld [tilespmem:s16+$0x170]  }
0x84: {  	v61 =	vld [tilespmem:s16+$0x180];
	v3 =	vadd.f32 v54, v3;
	v4 =	vadd.f32 v5, v4;
	v5 =	vmul.f32 v58, v58  }
0x85: {  	v2 =	vadd.f32 v56, v2;
	v62 =	vld [tilespmem:s16+$0x190]  }
0x86: {  	v3 =	vadd.f32 v58, v3;
	v4 =	vadd.f32 v5, v4;
	v5 =	vmul.f32 v59, v59  }
0x87: {  	v2 =	vadd.f32 v59, v2  }
0x88: {  	v3 =	vadd.f32 v60, v3;
	v4 =	vadd.f32 v5, v4;
	v5 =	vmul.f32 v60, v60  }
0x89: {  	v2 =	vadd.f32 v61, v2  }
0x8a: {  	v3 =	vadd.f32 v62, v3;
	v4 =	vadd.f32 v5, v4;
	v5 =	vmul.f32 v61, v61  }
0x8b: {  	s17 =	simm.s32 $0x0;
	s30 =	simm.s32 $0x10;
	v63 =	vmul.f32 v62, v62  }
0x8c: {  	s18 =	sand.u32 $0x1FF8, s30;
	s31 =	sand.u32 $0x6, s17;
	v2 =	vmul.f32 v2, v2;
	v3 =	vmul.f32 v3, v3;
	v4 =	vadd.f32 v5, v4  }
0x8d: {  	s18 =	sor.u32 s31, s18  }
0x8e: {  	s16 =	simm.s32 $0x1AD00;
	v2 =	vadd.f32 v3, v2;
	v3 =	vld [tilespmem:s18+$0x1AD00];
	v4 =	vadd.f32 v63, v4  }
0x8f: {  	v5 =	vld [tilespmem:s16+$0x0]  }
0x90: {  	v2 =	vsub.f32 v2, v4;
	_ =	sdelay $0x1  }
0x91: {  	v2 =	vmul.f32 $5.000000000e-01, v2  }
0x92: {  	v4 =	vor.u32 s17, v1  }
0x93: {  	v3 =	vmul.f32 v0, v3;
	v2 =	vadd.f32 v2, v5;
	_ =	sdelay $0x1  }
0x94: {  	v2 =	vadd.f32 v2, v3;
	_ =	sdelay $0x1  }
0x95: {  	s19 =	simm.s32 $0x11E0;
	[tilespmem:v4+s13+$0x0] =	vst.idx.msk $0xffff, v2  }
0x96: {  	v3 =	vld [tilespmem:s19+$0xFFFFFE60]  }
0x97: {  	s20 =	simm.s32 $0x2;
	s18 =	simm.s32 $0x1;
	v2 =	vld [tilespmem:s19+$0xFFFFFE70]  }
.LBB2_4:
0x98: {  	p0 =	sne.s32 s20, $0x7F  }
0x99: {  	v4 =	vld [tilespmem:s19+$0xFFFFFE80];
	_ =	sdelay $0x1  }
0x9a: {  	v5 =	vld [tilespmem:s19+$0xFFFFFE90]  }
0x9b: {  	v6 =	vmul.f32 v3, v3;
	v7 =	vmul.f32 v2, v2  }
0x9c: {  	v8 =	vld [tilespmem:s19+$0xFFFFFEA0]  }
0x9d: {  	v6 =	vadd.f32 v7, v6;
	v7 =	vmul.f32 v4, v4  }
0x9e: {  	v9 =	vld [tilespmem:s19+$0xFFFFFEB0]  }
0x9f: {  	v6 =	vadd.f32 v7, v6;
	v7 =	vmul.f32 v5, v5  }
0xa0: {  	v10 =	vld [tilespmem:s19+$0xFFFFFEC0]  }
0xa1: {  	v6 =	vadd.f32 v7, v6;
	v7 =	vmul.f32 v8, v8  }
0xa2: {  	v11 =	vld [tilespmem:s19+$0xFFFFFED0]  }
0xa3: {  	v6 =	vadd.f32 v7, v6;
	v7 =	vmul.f32 v9, v9  }
0xa4: {  	v12 =	vld [tilespmem:s19+$0xFFFFFEE0]  }
0xa5: {  	v6 =	vadd.f32 v7, v6;
	v7 =	vmul.f32 v10, v10  }
0xa6: {  	v13 =	vld [tilespmem:s19+$0xFFFFFEF0]  }
0xa7: {  	v6 =	vadd.f32 v7, v6;
	v7 =	vmul.f32 v11, v11  }
0xa8: {  	v14 =	vld [tilespmem:s19+$0xFFFFFF00]  }
0xa9: {  	v6 =	vadd.f32 v7, v6;
	v7 =	vmul.f32 v12, v12  }
0xaa: {  	v15 =	vld [tilespmem:s19+$0xFFFFFF10]  }
0xab: {  	v6 =	vadd.f32 v7, v6;
	v7 =	vmul.f32 v13, v13  }
0xac: {  	v16 =	vld [tilespmem:s19+$0xFFFFFF20]  }
0xad: {  	v6 =	vadd.f32 v7, v6;
	v7 =	vmul.f32 v14, v14  }
0xae: {  	v17 =	vld [tilespmem:s19+$0xFFFFFF30]  }
0xaf: {  	v6 =	vadd.f32 v7, v6;
	v7 =	vmul.f32 v15, v15  }
0xb0: {  	v18 =	vld [tilespmem:s19+$0xFFFFFF40]  }
0xb1: {  	v6 =	vadd.f32 v7, v6;
	v7 =	vmul.f32 v16, v16  }
0xb2: {  	v19 =	vld [tilespmem:s19+$0xFFFFFF50]  }
0xb3: {  	v6 =	vadd.f32 v7, v6;
	v7 =	vmul.f32 v17, v17  }
0xb4: {  	v20 =	vld [tilespmem:s19+$0xFFFFFF60]  }
0xb5: {  	v6 =	vadd.f32 v7, v6;
	v7 =	vmul.f32 v18, v18  }
0xb6: {  	v21 =	vld [tilespmem:s19+$0xFFFFFF70]  }
0xb7: {  	v6 =	vadd.f32 v7, v6;
	v7 =	vmul.f32 v19, v19  }
0xb8: {  	v22 =	vld [tilespmem:s19+$0xFFFFFF80]  }
0xb9: {  	v6 =	vadd.f32 v7, v6;
	v7 =	vmul.f32 v20, v20  }
0xba: {  	v23 =	vld [tilespmem:s19+$0xFFFFFF90]  }
0xbb: {  	v6 =	vadd.f32 v7, v6;
	v7 =	vmul.f32 v21, v21  }
0xbc: {  	v24 =	vld [tilespmem:s19+$0xFFFFFFA0]  }
0xbd: {  	v6 =	vadd.f32 v7, v6;
	v7 =	vmul.f32 v22, v22  }
0xbe: {  	v25 =	vld [tilespmem:s19+$0xFFFFFFB0]  }
0xbf: {  	v6 =	vadd.f32 v7, v6;
	v7 =	vmul.f32 v23, v23  }
0xc0: {  	v26 =	vld [tilespmem:s19+$0xFFFFFFC0]  }
0xc1: {  	v6 =	vadd.f32 v7, v6;
	v7 =	vmul.f32 v24, v24  }
0xc2: {  	v27 =	vld [tilespmem:s19+$0xFFFFFFD0]  }
0xc3: {  	v6 =	vadd.f32 v7, v6;
	v7 =	vmul.f32 v25, v25  }
0xc4: {  	v28 =	vld [tilespmem:s19+$0xFFFFFFE0]  }
0xc5: {  	v6 =	vadd.f32 v7, v6;
	v7 =	vmul.f32 v26, v26  }
0xc6: {  	v29 =	vld [tilespmem:s19+$0xFFFFFFF0]  }
0xc7: {  	v6 =	vadd.f32 v7, v6;
	v7 =	vmul.f32 v27, v27  }
0xc8: {  	v30 =	vld [tilespmem:s19+$0x0]  }
0xc9: {  	v6 =	vadd.f32 v7, v6;
	v7 =	vmul.f32 v28, v28  }
0xca: {  	v31 =	vld [tilespmem:s19+$0x10]  }
0xcb: {  	v6 =	vadd.f32 v7, v6;
	v7 =	vmul.f32 v29, v29  }
0xcc: {  	v3 =	vadd.f32 v4, v3;
	v4 =	vld [tilespmem:s19+$0x20]  }
0xcd: {  	v2 =	vadd.f32 v5, v2;
	v5 =	vadd.f32 v7, v6;
	v6 =	vmul.f32 v30, v30  }
0xce: {  	v3 =	vadd.f32 v8, v3;
	v7 =	vld [tilespmem:s19+$0x30]  }
0xcf: {  	v2 =	vadd.f32 v9, v2;
	v5 =	vadd.f32 v6, v5;
	v6 =	vmul.f32 v31, v31  }
0xd0: {  	v3 =	vadd.f32 v10, v3;
	v8 =	vld [tilespmem:s19+$0x40]  }
0xd1: {  	v2 =	vadd.f32 v11, v2;
	v5 =	vadd.f32 v6, v5;
	v6 =	vmul.f32 v4, v4  }
0xd2: {  	v3 =	vadd.f32 v12, v3;
	v9 =	vld [tilespmem:s19+$0x50]  }
0xd3: {  	v2 =	vadd.f32 v13, v2;
	v5 =	vadd.f32 v6, v5;
	v6 =	vmul.f32 v7, v7  }
0xd4: {  	v3 =	vadd.f32 v14, v3;
	v10 =	vld [tilespmem:s19+$0x60]  }
0xd5: {  	v2 =	vadd.f32 v15, v2;
	v5 =	vadd.f32 v6, v5;
	v6 =	vmul.f32 v8, v8  }
0xd6: {  	v3 =	vadd.f32 v16, v3;
	v11 =	vld [tilespmem:s19+$0x70]  }
0xd7: {  	v2 =	vadd.f32 v17, v2;
	v5 =	vadd.f32 v6, v5;
	v6 =	vmul.f32 v9, v9  }
0xd8: {  	v3 =	vadd.f32 v18, v3;
	v12 =	vld [tilespmem:s19+$0x80]  }
0xd9: {  	v2 =	vadd.f32 v19, v2;
	v5 =	vadd.f32 v6, v5;
	v6 =	vmul.f32 v10, v10  }
0xda: {  	v3 =	vadd.f32 v20, v3;
	v13 =	vld [tilespmem:s19+$0x90]  }
0xdb: {  	v2 =	vadd.f32 v21, v2;
	v5 =	vadd.f32 v6, v5;
	v6 =	vmul.f32 v11, v11  }
0xdc: {  	v3 =	vadd.f32 v22, v3;
	v14 =	vld [tilespmem:s19+$0xA0]  }
0xdd: {  	v2 =	vadd.f32 v23, v2;
	v5 =	vadd.f32 v6, v5;
	v6 =	vmul.f32 v12, v12  }
0xde: {  	v3 =	vadd.f32 v24, v3;
	v15 =	vld [tilespmem:s19+$0xB0]  }
0xdf: {  	v2 =	vadd.f32 v25, v2;
	v5 =	vadd.f32 v6, v5;
	v6 =	vmul.f32 v13, v13  }
0xe0: {  	v3 =	vadd.f32 v26, v3;
	v16 =	vld [tilespmem:s19+$0xC0]  }
0xe1: {  	v2 =	vadd.f32 v27, v2;
	v5 =	vadd.f32 v6, v5;
	v6 =	vmul.f32 v14, v14  }
0xe2: {  	v3 =	vadd.f32 v28, v3;
	v17 =	vld [tilespmem:s19+$0xD0]  }
0xe3: {  	v2 =	vadd.f32 v29, v2;
	v5 =	vadd.f32 v6, v5;
	v6 =	vmul.f32 v15, v15  }
0xe4: {  	v3 =	vadd.f32 v30, v3;
	v18 =	vld [tilespmem:s19+$0xE0]  }
0xe5: {  	v2 =	vadd.f32 v31, v2;
	v5 =	vadd.f32 v6, v5;
	v6 =	vmul.f32 v16, v16  }
0xe6: {  	v3 =	vadd.f32 v4, v3;
	v4 =	vld [tilespmem:s19+$0xF0]  }
0xe7: {  	v2 =	vadd.f32 v7, v2;
	v5 =	vadd.f32 v6, v5;
	v6 =	vmul.f32 v17, v17  }
0xe8: {  	v3 =	vadd.f32 v8, v3;
	v7 =	vld [tilespmem:s19+$0x100]  }
0xe9: {  	v2 =	vadd.f32 v9, v2;
	v5 =	vadd.f32 v6, v5;
	v6 =	vmul.f32 v18, v18  }
0xea: {  	v3 =	vadd.f32 v10, v3;
	v8 =	vld [tilespmem:s19+$0x110]  }
0xeb: {  	v2 =	vadd.f32 v11, v2;
	v5 =	vadd.f32 v6, v5;
	v6 =	vmul.f32 v4, v4  }
0xec: {  	v3 =	vadd.f32 v12, v3;
	v9 =	vld [tilespmem:s19+$0x120]  }
0xed: {  	v2 =	vadd.f32 v13, v2;
	v5 =	vadd.f32 v6, v5;
	v6 =	vmul.f32 v7, v7  }
0xee: {  	v3 =	vadd.f32 v14, v3;
	v10 =	vld [tilespmem:s19+$0x130]  }
0xef: {  	v2 =	vadd.f32 v15, v2;
	v5 =	vadd.f32 v6, v5;
	v6 =	vmul.f32 v8, v8  }
0xf0: {  	v3 =	vadd.f32 v16, v3;
	v11 =	vld [tilespmem:s19+$0x140]  }
0xf1: {  	v2 =	vadd.f32 v17, v2;
	v5 =	vadd.f32 v6, v5;
	v6 =	vmul.f32 v9, v9  }
0xf2: {  	v3 =	vadd.f32 v18, v3;
	v12 =	vld [tilespmem:s19+$0x150]  }
0xf3: {  	v2 =	vadd.f32 v4, v2;
	v4 =	vadd.f32 v6, v5;
	v5 =	vmul.f32 v10, v10  }
0xf4: {  	v3 =	vadd.f32 v7, v3;
	v6 =	vld [tilespmem:s19+$0x160]  }
0xf5: {  	v2 =	vadd.f32 v8, v2;
	v4 =	vadd.f32 v5, v4;
	v5 =	vmul.f32 v11, v11  }
0xf6: {  	v3 =	vadd.f32 v9, v3;
	v7 =	vld [tilespmem:s19+$0x170]  }
0xf7: {  	v2 =	vadd.f32 v10, v2;
	v4 =	vadd.f32 v5, v4;
	v5 =	vmul.f32 v12, v12;
	v8 =	vld [tilespmem:s19+$0x180]  }
0xf8: {  	v3 =	vadd.f32 v11, v3;
	v9 =	vld [tilespmem:s19+$0x190]  }
0xf9: {  	v2 =	vadd.f32 v12, v2;
	v4 =	vadd.f32 v5, v4;
	v5 =	vmul.f32 v6, v6  }
0xfa: {  	v3 =	vadd.f32 v6, v3  }
0xfb: {  	v2 =	vadd.f32 v7, v2;
	v4 =	vadd.f32 v5, v4;
	v5 =	vmul.f32 v7, v7  }
0xfc: {  	v3 =	vadd.f32 v8, v3  }
0xfd: {  	v4 =	vadd.f32 v5, v4;
	v2 =	vadd.f32 v9, v2;
	v5 =	vmul.f32 v8, v8  }
0xfe: {  	s17 =	sadd.s32 $0x1A, s17;
	v6 =	vmul.f32 v9, v9  }
0xff: {  	s21 =	sadd.s32 $0x10, s17;
	v3 =	vmul.f32 v3, v3;
	v4 =	vadd.f32 v5, v4;
	v2 =	vmul.f32 v2, v2  }
0x100: {  	s16 =	sadd.s32 $0x1A, s16;
	s22 =	sand.u32 $0x6, s17;
	s21 =	sand.u32 $0x1FF8, s21  }
0x101: {  	s21 =	sor.u32 s22, s21;
	v4 =	vadd.f32 v6, v4;
	v5 =	vld [tilespmem:s16+$0x0];
	v2 =	vadd.f32 v2, v3  }
0x102: {  	v3 =	vld [tilespmem:s21+$0x1AD00]  }
0x103: {  	v2 =	vsub.f32 v2, v4;
	_ =	sdelay $0x1  }
0x104: {  	v2 =	vmul.f32 $5.000000000e-01, v2  }
0x105: {  	v4 =	vor.u32 s18, v1;
	s18 =	smov.u32 s20  }
0x106: {  	v2 =	vadd.f32 v2, v5;
	v3 =	vmul.f32 v0, v3;
	_ =	sdelay $0x1  }
.Ltmp1:
0x107: {  	v2 =	vadd.f32 v2, v3;
	(pc) =	sbr.rel @p0 .LBB2_4-.Ltmp1, $4  }
0x108: {  	_ = 	snop  }
0x109: {  	s19 =	sadd.s32 $0x340, s19;
	[tilespmem:v4+s13+$0x0] =	vst.idx.msk $0xffff, v2  }
0x10a: {  	v3 =	vld [tilespmem:s19+$0xFFFFFE60]  }
0x10b: {  	s20 =	sadd.s32 $0x1, s20;
	v2 =	vld [tilespmem:s19+$0xFFFFFE70]  }
0x10c: {  	_ = 	snop  }
0x10d: {  	v4 =	vld [tilespmem:s19+$0xFFFFFE80];
	_ =	sdelay $0x1  }
0x10e: {  	v5 =	vld [tilespmem:s19+$0xFFFFFE90]  }
0x10f: {  	v6 =	vmul.f32 v3, v3;
	v7 =	vmul.f32 v2, v2  }
0x110: {  	v8 =	vld [tilespmem:s19+$0xFFFFFEA0]  }
0x111: {  	v39 =	vmul.f32 v4, v4;
	v6 =	vadd.f32 v7, v6  }
0x112: {  	v9 =	vld [tilespmem:s19+$0xFFFFFEB0]  }
0x113: {  	v40 =	vmul.f32 v5, v5;
	v6 =	vadd.f32 v39, v6  }
0x114: {  	v10 =	vld [tilespmem:s19+$0xFFFFFEC0]  }
0x115: {  	v41 =	vmul.f32 v8, v8;
	v6 =	vadd.f32 v40, v6  }
0x116: {  	v11 =	vld [tilespmem:s19+$0xFFFFFED0]  }
0x117: {  	v42 =	vmul.f32 v9, v9;
	v6 =	vadd.f32 v41, v6  }
0x118: {  	v12 =	vld [tilespmem:s19+$0xFFFFFEE0]  }
0x119: {  	v43 =	vmul.f32 v10, v10;
	v6 =	vadd.f32 v42, v6  }
0x11a: {  	v13 =	vld [tilespmem:s19+$0xFFFFFEF0]  }
0x11b: {  	v44 =	vmul.f32 v11, v11;
	v6 =	vadd.f32 v43, v6  }
0x11c: {  	v14 =	vld [tilespmem:s19+$0xFFFFFF00]  }
0x11d: {  	v45 =	vmul.f32 v12, v12;
	v6 =	vadd.f32 v44, v6  }
0x11e: {  	v15 =	vld [tilespmem:s19+$0xFFFFFF10]  }
0x11f: {  	v46 =	vmul.f32 v13, v13;
	v6 =	vadd.f32 v45, v6  }
0x120: {  	v16 =	vld [tilespmem:s19+$0xFFFFFF20]  }
0x121: {  	v47 =	vmul.f32 v14, v14;
	v6 =	vadd.f32 v46, v6  }
0x122: {  	v17 =	vld [tilespmem:s19+$0xFFFFFF30]  }
0x123: {  	v48 =	vmul.f32 v15, v15;
	v6 =	vadd.f32 v47, v6  }
0x124: {  	v18 =	vld [tilespmem:s19+$0xFFFFFF40]  }
0x125: {  	v49 =	vmul.f32 v16, v16;
	v6 =	vadd.f32 v48, v6  }
0x126: {  	v19 =	vld [tilespmem:s19+$0xFFFFFF50]  }
0x127: {  	v50 =	vmul.f32 v17, v17;
	v6 =	vadd.f32 v49, v6  }
0x128: {  	v20 =	vld [tilespmem:s19+$0xFFFFFF60]  }
0x129: {  	v51 =	vmul.f32 v18, v18;
	v6 =	vadd.f32 v50, v6  }
0x12a: {  	v21 =	vld [tilespmem:s19+$0xFFFFFF70]  }
0x12b: {  	v52 =	vmul.f32 v19, v19;
	v6 =	vadd.f32 v51, v6  }
0x12c: {  	v22 =	vld [tilespmem:s19+$0xFFFFFF80]  }
0x12d: {  	v53 =	vmul.f32 v20, v20;
	v6 =	vadd.f32 v52, v6  }
0x12e: {  	v23 =	vld [tilespmem:s19+$0xFFFFFF90]  }
0x12f: {  	v54 =	vmul.f32 v21, v21;
	v6 =	vadd.f32 v53, v6  }
0x130: {  	v24 =	vld [tilespmem:s19+$0xFFFFFFA0]  }
0x131: {  	v55 =	vmul.f32 v22, v22;
	v6 =	vadd.f32 v54, v6  }
0x132: {  	v25 =	vld [tilespmem:s19+$0xFFFFFFB0]  }
0x133: {  	v56 =	vmul.f32 v23, v23;
	v6 =	vadd.f32 v55, v6  }
0x134: {  	v26 =	vld [tilespmem:s19+$0xFFFFFFC0]  }
0x135: {  	v57 =	vmul.f32 v24, v24;
	v6 =	vadd.f32 v56, v6  }
0x136: {  	v27 =	vld [tilespmem:s19+$0xFFFFFFD0]  }
0x137: {  	v58 =	vmul.f32 v25, v25;
	v6 =	vadd.f32 v57, v6  }
0x138: {  	v28 =	vld [tilespmem:s19+$0xFFFFFFE0]  }
0x139: {  	v59 =	vmul.f32 v26, v26;
	v6 =	vadd.f32 v58, v6  }
0x13a: {  	v29 =	vld [tilespmem:s19+$0xFFFFFFF0]  }
0x13b: {  	v60 =	vmul.f32 v27, v27;
	v6 =	vadd.f32 v59, v6  }
0x13c: {  	v30 =	vld [tilespmem:s19+$0x0]  }
0x13d: {  	v61 =	vmul.f32 v28, v28;
	v6 =	vadd.f32 v60, v6  }
0x13e: {  	v31 =	vld [tilespmem:s19+$0x10]  }
0x13f: {  	v62 =	vmul.f32 v29, v29;
	v6 =	vadd.f32 v61, v6  }
0x140: {  	v63 =	vld [tilespmem:s19+$0x20];
	v3 =	vadd.f32 v4, v3  }
0x141: {  	v2 =	vadd.f32 v5, v2;
	v33 =	vmul.f32 v30, v30;
	v32 =	vadd.f32 v62, v6  }
0x142: {  	v34 =	vld [tilespmem:s19+$0x30];
	v3 =	vadd.f32 v8, v3  }
0x143: {  	v35 =	vmul.f32 v31, v31;
	v2 =	vadd.f32 v9, v2;
	v5 =	vadd.f32 v33, v32  }
0x144: {  	v36 =	vld [tilespmem:s19+$0x40];
	v3 =	vadd.f32 v10, v3  }
0x145: {  	v37 =	vmul.f32 v63, v63;
	v2 =	vadd.f32 v11, v2;
	v5 =	vadd.f32 v35, v5  }
0x146: {  	v38 =	vld [tilespmem:s19+$0x50];
	v3 =	vadd.f32 v12, v3  }
0x147: {  	v39 =	vmul.f32 v34, v34;
	v2 =	vadd.f32 v13, v2;
	v5 =	vadd.f32 v37, v5  }
0x148: {  	v40 =	vld [tilespmem:s19+$0x60];
	v3 =	vadd.f32 v14, v3  }
0x149: {  	v41 =	vmul.f32 v36, v36;
	v2 =	vadd.f32 v15, v2;
	v5 =	vadd.f32 v39, v5  }
0x14a: {  	v42 =	vld [tilespmem:s19+$0x70];
	v3 =	vadd.f32 v16, v3  }
0x14b: {  	v2 =	vadd.f32 v17, v2;
	v43 =	vmul.f32 v38, v38;
	v5 =	vadd.f32 v41, v5  }
0x14c: {  	v3 =	vadd.f32 v18, v3;
	v44 =	vld [tilespmem:s19+$0x80]  }
0x14d: {  	v2 =	vadd.f32 v19, v2;
	v45 =	vmul.f32 v40, v40;
	v5 =	vadd.f32 v43, v5  }
0x14e: {  	v3 =	vadd.f32 v20, v3;
	v46 =	vld [tilespmem:s19+$0x90]  }
0x14f: {  	v2 =	vadd.f32 v21, v2;
	v47 =	vmul.f32 v42, v42;
	v5 =	vadd.f32 v45, v5  }
0x150: {  	v3 =	vadd.f32 v22, v3;
	v48 =	vld [tilespmem:s19+$0xA0]  }
0x151: {  	v2 =	vadd.f32 v23, v2;
	v49 =	vmul.f32 v44, v44;
	v5 =	vadd.f32 v47, v5  }
0x152: {  	v3 =	vadd.f32 v24, v3;
	v50 =	vld [tilespmem:s19+$0xB0]  }
0x153: {  	v2 =	vadd.f32 v25, v2;
	v51 =	vmul.f32 v46, v46;
	v5 =	vadd.f32 v49, v5  }
0x154: {  	v3 =	vadd.f32 v26, v3;
	v52 =	vld [tilespmem:s19+$0xC0]  }
0x155: {  	v2 =	vadd.f32 v27, v2;
	v53 =	vmul.f32 v48, v48;
	v5 =	vadd.f32 v51, v5  }
0x156: {  	v3 =	vadd.f32 v28, v3;
	v54 =	vld [tilespmem:s19+$0xD0]  }
0x157: {  	v2 =	vadd.f32 v29, v2;
	v55 =	vmul.f32 v50, v50;
	v5 =	vadd.f32 v53, v5  }
0x158: {  	v3 =	vadd.f32 v30, v3;
	v56 =	vld [tilespmem:s19+$0xE0]  }
0x159: {  	v2 =	vadd.f32 v31, v2;
	v57 =	vmul.f32 v52, v52;
	v5 =	vadd.f32 v55, v5  }
0x15a: {  	v3 =	vadd.f32 v63, v3;
	v58 =	vld [tilespmem:s19+$0xF0]  }
0x15b: {  	v2 =	vadd.f32 v34, v2;
	v59 =	vmul.f32 v54, v54;
	v5 =	vadd.f32 v57, v5  }
0x15c: {  	v3 =	vadd.f32 v36, v3;
	v60 =	vld [tilespmem:s19+$0x100]  }
0x15d: {  	v2 =	vadd.f32 v38, v2;
	v61 =	vmul.f32 v56, v56;
	v5 =	vadd.f32 v59, v5  }
0x15e: {  	v3 =	vadd.f32 v40, v3;
	v62 =	vld [tilespmem:s19+$0x110]  }
0x15f: {  	v2 =	vadd.f32 v42, v2;
	v63 =	vmul.f32 v58, v58;
	v5 =	vadd.f32 v61, v5  }
0x160: {  	v19 =	vld [tilespmem:s19+$0x120];
	v3 =	vadd.f32 v44, v3  }
0x161: {  	v2 =	vadd.f32 v46, v2;
	v20 =	vmul.f32 v60, v60;
	v5 =	vadd.f32 v63, v5  }
0x162: {  	v21 =	vld [tilespmem:s19+$0x130];
	v3 =	vadd.f32 v48, v3  }
0x163: {  	v2 =	vadd.f32 v50, v2;
	v22 =	vmul.f32 v62, v62;
	v5 =	vadd.f32 v20, v5  }
0x164: {  	v23 =	vld [tilespmem:s19+$0x140];
	v3 =	vadd.f32 v52, v3  }
0x165: {  	v24 =	vmul.f32 v19, v19;
	v2 =	vadd.f32 v54, v2;
	v5 =	vadd.f32 v22, v5  }
0x166: {  	v25 =	vld [tilespmem:s19+$0x150];
	v3 =	vadd.f32 v56, v3  }
0x167: {  	v27 =	vmul.f32 v21, v21;
	v2 =	vadd.f32 v58, v2;
	v26 =	vadd.f32 v24, v5  }
0x168: {  	v28 =	vld [tilespmem:s19+$0x160];
	v3 =	vadd.f32 v60, v3  }
0x169: {  	v29 =	vmul.f32 v23, v23;
	v2 =	vadd.f32 v62, v2;
	v4 =	vadd.f32 v27, v26  }
0x16a: {  	v30 =	vld [tilespmem:s19+$0x170];
	v3 =	vadd.f32 v19, v3  }
0x16b: {  	v31 =	vmul.f32 v25, v25;
	v32 =	vld [tilespmem:s19+$0x180];
	v2 =	vadd.f32 v21, v2;
	v4 =	vadd.f32 v29, v4  }
0x16c: {  	v33 =	vld [tilespmem:s19+$0x190];
	v3 =	vadd.f32 v23, v3  }
0x16d: {  	v34 =	vmul.f32 v28, v28;
	v2 =	vadd.f32 v25, v2;
	v4 =	vadd.f32 v31, v4  }
0x16e: {  	v3 =	vadd.f32 v28, v3  }
0x16f: {  	v35 =	vmul.f32 v30, v30;
	v2 =	vadd.f32 v30, v2;
	v4 =	vadd.f32 v34, v4  }
0x170: {  	v3 =	vadd.f32 v32, v3  }
0x171: {  	v36 =	vmul.f32 v32, v32;
	v2 =	vadd.f32 v33, v2;
	v4 =	vadd.f32 v35, v4  }
0x172: {  	s17 =	sadd.s32 $0x1A, s17;
	v37 =	vmul.f32 v33, v33  }
0x173: {  	s30 =	sadd.s32 $0x10, s17;
	v3 =	vmul.f32 v3, v3;
	v2 =	vmul.f32 v2, v2;
	v4 =	vadd.f32 v36, v4  }
0x174: {  	s16 =	sadd.s32 $0x1A, s16;
	s17 =	sand.u32 $0x6, s17;
	s19 =	sand.u32 $0x1FF8, s30  }
0x175: {  	v38 =	vld [tilespmem:s16+$0x0];
	s31 =	sor.u32 s17, s19;
	v2 =	vadd.f32 v2, v3;
	v4 =	vadd.f32 v37, v4  }
0x176: {  	v3 =	vld [tilespmem:s31+$0x1AD00]  }
0x177: {  	v2 =	vsub.f32 v2, v4;
	_ =	sdelay $0x1  }
0x178: {  	v2 =	vmul.f32 $5.000000000e-01, v2  }
0x179: {  	v39 =	vor.u32 s18, v1  }
0x17a: {  	v3 =	vmul.f32 v0, v3;
	v2 =	vadd.f32 v2, v38;
	_ =	sdelay $0x1  }
0x17b: {  	v2 =	vadd.f32 v2, v3;
	_ =	sdelay $0x1  }
0x17c: {  	[tilespmem:v39+s13+$0x0] =	vst.idx.msk $0xffff, v2  }
0x17d: {  	v2 =	vld [tilespmem:$0x1C280]  }
0x17e: {  	v3 =	vld [tilespmem:$0x1BA00]  }
0x17f: {  	v4 =	vld [tilespmem:$0x1BA80]  }
0x180: {  	v40 =	vld [tilespmem:$0x1BB00]  }
0x181: {  	v41 =	vld [tilespmem:$0x1BB80]  }
0x182: {  	v42 =	vld [tilespmem:$0x1BC00]  }
0x183: {  	v43 =	vld [tilespmem:$0x1BC80]  }
0x184: {  	v44 =	vld [tilespmem:$0x1BD00]  }
0x185: {  	v45 =	vld [tilespmem:$0x1BD80]  }
0x186: {  	v46 =	vld [tilespmem:$0x1BE00]  }
0x187: {  	v47 =	vld [tilespmem:$0x1BE80]  }
0x188: {  	v48 =	vld [tilespmem:$0x1BF00]  }
0x189: {  	v49 =	vld [tilespmem:$0x1BF80]  }
0x18a: {  	v50 =	vld [tilespmem:$0x1C000]  }
0x18b: {  	v51 =	vld [tilespmem:$0x1C080]  }
0x18c: {  	v52 =	vld [tilespmem:$0x1C100]  }
0x18d: {  	v53 =	vld [tilespmem:$0x1C180]  }
0x18e: {  	v54 =	vld [tilespmem:$0x1BA10]  }
0x18f: {  	v55 =	vld [tilespmem:$0x1BA90]  }
0x190: {  	v56 =	vld [tilespmem:$0x1BB10];
	v3 =	vadd.f32 v4, v3  }
0x191: {  	v57 =	vld [tilespmem:$0x1BB90]  }
0x192: {  	v58 =	vld [tilespmem:$0x1BC10];
	v3 =	vadd.f32 v40, v3  }
0x193: {  	v59 =	vld [tilespmem:$0x1BC90]  }
0x194: {  	v60 =	vld [tilespmem:$0x1BD10];
	v3 =	vadd.f32 v41, v3  }
0x195: {  	v61 =	vld [tilespmem:$0x1BD90]  }
0x196: {  	v62 =	vld [tilespmem:$0x1BE10];
	v3 =	vadd.f32 v42, v3  }
0x197: {  	v63 =	vld [tilespmem:$0x1BE90]  }
0x198: {  	v30 =	vld [tilespmem:$0x1BF10];
	v3 =	vadd.f32 v43, v3  }
0x199: {  	v31 =	vld [tilespmem:$0x1BF90]  }
0x19a: {  	v32 =	vld [tilespmem:$0x1C010];
	v3 =	vadd.f32 v44, v3  }
0x19b: {  	v33 =	vld [tilespmem:$0x1C090]  }
0x19c: {  	v34 =	vld [tilespmem:$0x1C110];
	v3 =	vadd.f32 v45, v3  }
0x19d: {  	v35 =	vld [tilespmem:$0x1C190]  }
0x19e: {  	v36 =	vld [tilespmem:$0x1BA20];
	v19 =	vadd.f32 v55, v54;
	v3 =	vadd.f32 v46, v3  }
0x19f: {  	v37 =	vld [tilespmem:$0x1BAA0]  }
0x1a0: {  	v38 =	vld [tilespmem:$0x1BB20];
	v19 =	vadd.f32 v56, v19;
	v3 =	vadd.f32 v47, v3  }
0x1a1: {  	v39 =	vld [tilespmem:$0x1BBA0]  }
0x1a2: {  	v25 =	vld [tilespmem:$0x1C030];
	v4 =	vadd.f32 v57, v19;
	v3 =	vadd.f32 v48, v3  }
0x1a3: {  	v26 =	vld [tilespmem:$0x1C0B0]  }
0x1a4: {  	v27 =	vld [tilespmem:$0x1C130];
	v4 =	vadd.f32 v58, v4;
	v3 =	vadd.f32 v49, v3  }
0x1a5: {  	v28 =	vld [tilespmem:$0x1C1B0]  }
0x1a6: {  	v21 =	vld [tilespmem:$0x1BBE0];
	v4 =	vadd.f32 v59, v4;
	v3 =	vadd.f32 v50, v3  }
0x1a7: {  	v23 =	vld [tilespmem:$0x1BC60]  }
0x1a8: {  	v24 =	vld [tilespmem:$0x1C150];
	v4 =	vadd.f32 v60, v4;
	v3 =	vadd.f32 v51, v3  }
0x1a9: {  	v11 =	vadd.f32 v37, v36;
	v54 =	vld [tilespmem:$0x1BB30]  }
0x1aa: {  	v40 =	vld [tilespmem:$0x1BC20];
	v4 =	vadd.f32 v61, v4;
	v3 =	vadd.f32 v52, v3  }
0x1ab: {  	v55 =	vld [tilespmem:$0x1BBB0];
	v11 =	vadd.f32 v38, v11  }
0x1ac: {  	v36 =	vld [tilespmem:$0x1BCC0];
	v4 =	vadd.f32 v62, v4;
	v3 =	vadd.f32 v53, v3  }
0x1ad: {  	v41 =	vld [tilespmem:$0x1BCA0];
	v11 =	vadd.f32 v39, v11  }
0x1ae: {  	v56 =	vld [tilespmem:$0x1BC30];
	v4 =	vadd.f32 v63, v4;
	v3 =	vadd.f32 v3, v2  }
0x1af: {  	v42 =	vld [tilespmem:$0x1BD20];
	v11 =	vadd.f32 v40, v11  }
0x1b0: {  	v43 =	vld [tilespmem:$0x1BDA0];
	v4 =	vadd.f32 v30, v4;
	v3 =	vsub.f32 $0.0e+00, v3  }
0x1b1: {  	v52 =	vld [tilespmem:$0x1BA30]  }
0x1b2: {  	v11 =	vadd.f32 v41, v11;
	v4 =	vadd.f32 v31, v4;
	v53 =	vld [tilespmem:$0x1BAB0];
	v3 =	vmul.f32 $1.442695020e+00, v3  }
0x1b3: {  	v44 =	vld [tilespmem:$0x1BE20]  }
0x1b4: {  	v57 =	vld [tilespmem:$0x1BCB0];
	v4 =	vadd.f32 v32, v4;
	(erf) = vpow2.f32 v3;
	v3 =	vadd.f32 v42, v11  }
0x1b5: {  	v45 =	vld [tilespmem:$0x1BEA0]  }
0x1b6: {  	v58 =	vld [tilespmem:$0x1BD30];
	v4 =	vadd.f32 v33, v4;
	v3 =	vadd.f32 v43, v3  }
0x1b7: {  	v46 =	vld [tilespmem:$0x1BF20];
	v7 =	vadd.f32 v53, v52  }
0x1b8: {  	v59 =	vld [tilespmem:$0x1BDB0];
	v4 =	vadd.f32 v34, v4;
	v3 =	vadd.f32 v44, v3  }
0x1b9: {  	v47 =	vld [tilespmem:$0x1BFA0];
	v7 =	vadd.f32 v54, v7  }
0x1ba: {  	v60 =	vld [tilespmem:$0x1BE30];
	v4 =	vadd.f32 v35, v4;
	v3 =	vadd.f32 v45, v3  }
0x1bb: {  	v48 =	vld [tilespmem:$0x1C020];
	v7 =	vadd.f32 v55, v7  }
0x1bc: {  	v30 =	vld [tilespmem:$0x1BA40];
	v4 =	vadd.f32 v4, v2;
	v3 =	vadd.f32 v46, v3  }
0x1bd: {  	v49 =	vld [tilespmem:$0x1C0A0];
	v7 =	vadd.f32 v56, v7  }
0x1be: {  	v31 =	vld [tilespmem:$0x1BAC0];
	v4 =	vsub.f32 $0.0e+00, v4;
	v29 =	vpop (erf);
	v3 =	vadd.f32 v47, v3  }
0x1bf: {  	v50 =	vld [tilespmem:$0x1C120];
	v7 =	vadd.f32 v57, v7;
	v22 =	vadd.f32 $1.000000000e+00, v29  }
0x1c0: {  	v32 =	vld [tilespmem:$0x1BB40];
	v4 =	vmul.f32 $1.442695020e+00, v4;
	v3 =	vadd.f32 v48, v3  }
0x1c1: {  	v51 =	vld [tilespmem:$0x1C1A0];
	v34 =	vadd.f32 v58, v7;
	(erf) = vrcp.f32 v22  }
0x1c2: {  	v61 =	vld [tilespmem:$0x1BEB0];
	(erf) = vpow2.f32 v4;
	v3 =	vadd.f32 v49, v3  }
0x1c3: {  	v33 =	vld [tilespmem:$0x1BBC0];
	v4 =	vadd.f32 v59, v34  }
0x1c4: {  	v62 =	vld [tilespmem:$0x1BF30];
	v8 =	vadd.f32 v31, v30;
	v3 =	vadd.f32 v50, v3  }
0x1c5: {  	v35 =	vld [tilespmem:$0x1BC40];
	v4 =	vadd.f32 v60, v4  }
0x1c6: {  	v63 =	vld [tilespmem:$0x1BFB0];
	v8 =	vadd.f32 v32, v8;
	v3 =	vadd.f32 v51, v3  }
0x1c7: {  	v37 =	vld [tilespmem:$0x1BD40];
	v4 =	vadd.f32 v61, v4  }
0x1c8: {  	v38 =	vld [tilespmem:$0x1BDC0];
	v6 =	vadd.f32 v33, v8  }
0x1c9: {  	v39 =	vld [tilespmem:$0x1BE40];
	v4 =	vadd.f32 v62, v4;
	v18 =	vadd.f32 v3, v2  }
0x1ca: {  	v40 =	vld [tilespmem:$0x1BEC0];
	v6 =	vadd.f32 v35, v6;
	v3 =	vpop (erf)  }
0x1cb: {  	v41 =	vld [tilespmem:$0x1BF40];
	v4 =	vadd.f32 v63, v4;
	v18 =	vsub.f32 $0.0e+00, v18;
	v44 =	vpop (erf)  }
0x1cc: {  	v46 =	vld [tilespmem:$0x1BA50];
	v20 =	vadd.f32 $1.000000000e+00, v44  }
0x1cd: {  	v6 =	vadd.f32 v36, v6;
	v47 =	vld [tilespmem:$0x1BAD0];
	v4 =	vadd.f32 v25, v4;
	v18 =	vmul.f32 $1.442695020e+00, v18  }
0x1ce: {  	v52 =	vld [tilespmem:$0x1BC50];
	(erf) = vrcp.f32 v20  }
0x1cf: {  	v6 =	vadd.f32 v37, v6;
	v49 =	vld [tilespmem:$0x1BB50];
	v4 =	vadd.f32 v26, v4;
	(erf) = vpow2.f32 v18  }
0x1d0: {  	v53 =	vld [tilespmem:$0x1BCD0]  }
0x1d1: {  	v6 =	vadd.f32 v38, v6;
	v51 =	vld [tilespmem:$0x1BBD0];
	v4 =	vadd.f32 v27, v4  }
0x1d2: {  	v54 =	vld [tilespmem:$0x1BD50];
	v5 =	vadd.f32 v47, v46  }
0x1d3: {  	v42 =	vld [tilespmem:$0x1BFC0];
	v6 =	vadd.f32 v39, v6;
	v4 =	vadd.f32 v28, v4  }
0x1d4: {  	v55 =	vld [tilespmem:$0x1BDD0];
	v5 =	vadd.f32 v49, v5  }
0x1d5: {  	v43 =	vld [tilespmem:$0x1C040];
	v6 =	vadd.f32 v40, v6  }
0x1d6: {  	v57 =	vld [tilespmem:$0x1BE50];
	v5 =	vadd.f32 v51, v5;
	v56 =	vadd.f32 v4, v2  }
0x1d7: {  	v45 =	vld [tilespmem:$0x1C0C0];
	v6 =	vadd.f32 v41, v6;
	v4 =	vpop (erf)  }
0x1d8: {  	v48 =	vld [tilespmem:$0x1C140];
	v5 =	vadd.f32 v52, v5;
	v18 =	vsub.f32 $0.0e+00, v56;
	v59 =	vpop (erf)  }
0x1d9: {  	v6 =	vadd.f32 v42, v6;
	v61 =	vld [tilespmem:$0x1BA60];
	v19 =	vadd.f32 $1.000000000e+00, v59  }
0x1da: {  	v62 =	vld [tilespmem:$0x1BAE0];
	v5 =	vadd.f32 v53, v5;
	v18 =	vmul.f32 $1.442695020e+00, v18  }
0x1db: {  	v6 =	vadd.f32 v43, v6;
	v50 =	vld [tilespmem:$0x1C1C0];
	(erf) = vrcp.f32 v19  }
0x1dc: {  	v5 =	vadd.f32 v54, v5;
	v19 =	vld [tilespmem:$0x1BB60];
	(erf) = vpow2.f32 v18  }
0x1dd: {  	v58 =	vld [tilespmem:$0x1BED0];
	v6 =	vadd.f32 v45, v6  }
0x1de: {  	v30 =	vld [tilespmem:$0x1BDE0];
	v5 =	vadd.f32 v55, v5  }
0x1df: {  	v60 =	vld [tilespmem:$0x1BF50];
	v6 =	vadd.f32 v48, v6;
	v8 =	vadd.f32 v62, v61  }
0x1e0: {  	v31 =	vld [tilespmem:$0x1BA70];
	v5 =	vadd.f32 v57, v5  }
0x1e1: {  	v63 =	vld [tilespmem:$0x1BFD0];
	v6 =	vadd.f32 v50, v6;
	v8 =	vadd.f32 v19, v8  }
0x1e2: {  	v25 =	vld [tilespmem:$0x1BCE0];
	v5 =	vadd.f32 v58, v5  }
0x1e3: {  	v6 =	vadd.f32 v6, v2;
	v20 =	vld [tilespmem:$0x1C050];
	v8 =	vadd.f32 v21, v8  }
0x1e4: {  	v28 =	vld [tilespmem:$0x1BD60];
	v5 =	vadd.f32 v60, v5;
	v27 =	vpop (erf)  }
0x1e5: {  	v22 =	vld [tilespmem:$0x1C0D0];
	v6 =	vsub.f32 $0.0e+00, v6;
	v8 =	vadd.f32 v23, v8;
	v29 =	vpop (erf)  }
0x1e6: {  	v32 =	vld [tilespmem:$0x1BAF0];
	v5 =	vadd.f32 v63, v5;
	v17 =	vadd.f32 $1.000000000e+00, v29  }
0x1e7: {  	v33 =	vld [tilespmem:$0x1BE60];
	v6 =	vmul.f32 $1.442695020e+00, v6;
	v8 =	vadd.f32 v25, v8  }
0x1e8: {  	v35 =	vld [tilespmem:$0x1BB70];
	v5 =	vadd.f32 v20, v5;
	(erf) = vrcp.f32 v17  }
0x1e9: {  	v26 =	vld [tilespmem:$0x1C1D0];
	v34 =	vadd.f32 v28, v8;
	(erf) = vpow2.f32 v6  }
0x1ea: {  	v36 =	vld [tilespmem:$0x1BEE0];
	v5 =	vadd.f32 v22, v5  }
0x1eb: {  	v37 =	vld [tilespmem:$0x1BBF0];
	v6 =	vadd.f32 v30, v34  }
0x1ec: {  	v11 =	vadd.f32 v32, v31;
	v38 =	vld [tilespmem:$0x1BF60];
	v5 =	vadd.f32 v24, v5  }
0x1ed: {  	v39 =	vld [tilespmem:$0x1BC70];
	v6 =	vadd.f32 v33, v6  }
0x1ee: {  	v40 =	vld [tilespmem:$0x1BFE0];
	v5 =	vadd.f32 v26, v5;
	v8 =	vadd.f32 v35, v11  }
0x1ef: {  	v41 =	vld [tilespmem:$0x1BCF0];
	v6 =	vadd.f32 v36, v6  }
0x1f0: {  	v42 =	vld [tilespmem:$0x1C060];
	v5 =	vadd.f32 v5, v2;
	v8 =	vadd.f32 v37, v8  }
0x1f1: {  	v44 =	vld [tilespmem:$0x1BD70];
	v6 =	vadd.f32 v38, v6;
	v43 =	vpop (erf)  }
0x1f2: {  	v46 =	vld [tilespmem:$0x1C0E0];
	v5 =	vsub.f32 $0.0e+00, v5;
	v7 =	vadd.f32 v39, v8;
	v45 =	vpop (erf)  }
0x1f3: {  	v48 =	vld [tilespmem:$0x1BDF0];
	v6 =	vadd.f32 v40, v6;
	v47 =	vadd.f32 $1.000000000e+00, v45  }
0x1f4: {  	v49 =	vld [tilespmem:$0x1C160];
	v5 =	vmul.f32 $1.442695020e+00, v5;
	v7 =	vadd.f32 v41, v7  }
0x1f5: {  	v50 =	vld [tilespmem:$0x1BE70];
	v6 =	vadd.f32 v42, v6;
	(erf) = vrcp.f32 v47  }
0x1f6: {  	v51 =	vld [tilespmem:$0x1C1E0];
	v7 =	vadd.f32 v44, v7;
	(erf) = vpow2.f32 v5  }
0x1f7: {  	v52 =	vld [tilespmem:$0x1BEF0];
	v6 =	vadd.f32 v46, v6  }
0x1f8: {  	v7 =	vadd.f32 v48, v7  }
0x1f9: {  	v53 =	vld [tilespmem:$0x1BF70];
	v6 =	vadd.f32 v49, v6  }
0x1fa: {  	v7 =	vadd.f32 v50, v7  }
0x1fb: {  	v54 =	vld [tilespmem:$0x1BFF0];
	v5 =	vadd.f32 v51, v6  }
0x1fc: {  	v7 =	vadd.f32 v52, v7  }
0x1fd: {  	v55 =	vld [tilespmem:$0x1C070];
	v5 =	vadd.f32 v5, v2  }
0x1fe: {  	v7 =	vadd.f32 v53, v7;
	v56 =	vpop (erf)  }
0x1ff: {  	v58 =	vld [tilespmem:$0x1C0F0];
	v5 =	vsub.f32 $0.0e+00, v5;
	v57 =	vpop (erf)  }
0x200: {  	v6 =	vadd.f32 v54, v7;
	v11 =	vadd.f32 $1.000000000e+00, v57  }
0x201: {  	v59 =	vld [tilespmem:$0x1C170];
	v5 =	vmul.f32 $1.442695020e+00, v5  }
0x202: {  	v6 =	vadd.f32 v55, v6;
	(erf) = vrcp.f32 v11  }
0x203: {  	v60 =	vld [tilespmem:$0x1C1F0];
	(erf) = vpow2.f32 v5  }
0x204: {  	v6 =	vadd.f32 v58, v6;
	_ =	sdelay $0x1  }
0x205: {  	v6 =	vadd.f32 v59, v6;
	_ =	sdelay $0x1  }
0x206: {  	v5 =	vadd.f32 v60, v6;
	_ =	sdelay $0x1  }
0x207: {  	v2 =	vadd.f32 v5, v2  }
0x208: {  	v61 =	vpop (erf)  }
0x209: {  	v2 =	vsub.f32 $0.0e+00, v2;
	v62 =	vpop (erf)  }
0x20a: {  	v6 =	vadd.f32 $1.000000000e+00, v62  }
0x20b: {  	v2 =	vmul.f32 $1.442695020e+00, v2  }
0x20c: {  	(erf) = vrcp.f32 v6  }
0x20d: {  	(erf) = vpow2.f32 v2;
	_ =	sdelay $0x7  }
0x20e: {  	v2 =	vpop (erf)  }
0x20f: {  	v63 =	vpop (erf)  }
0x210: {  	v6 =	vadd.f32 $1.000000000e+00, v63;
	_ =	sdelay $0x1  }
0x211: {  	(erf) = vrcp.f32 v6;
	_ =	sdelay $0x2  }
0x212: {  	[tilespmem:$0x1C200] =	vst v3  }
0x213: {  	[tilespmem:$0x1C210] =	vst v4  }
0x214: {  	[tilespmem:$0x1C220] =	vst v27  }
0x215: {  	[tilespmem:$0x1C230] =	vst v43  }
0x216: {  	[tilespmem:$0x1C240] =	vst v56  }
0x217: {  	s15 =	sadd.s32 $0x1, s15;
	[tilespmem:$0x1C250] =	vst v61  }
0x218: {  	p0 =	sne.s32 s15, s8;
	[tilespmem:$0x1C260] =	vst v2;
	v2 =	vpop (erf)  }
.Ltmp2:
0x219: {  	[tilespmem:$0x1C270] =	vst v2;
	(pc) =	sbr.rel @p0 .LBB2_1-.Ltmp2, $4  }
0x21a: {  	[hbm4b:s7+s2] =	stream.linear.scatter [tilespmem:s14], [sflag:$0x2], $0x80, $0x38;
	[tilespmem:$0x1C290] =	vst v63  }
0x21b: {  	_ =	swait.ge [sflag:s9], $0x80  }
0x21c: {  	[sflag:s9] =	ssyncset.done $0x0  }
0x21d: {  	[sflag:s9] =	ssyncadd.s32 $0xFFFFFF80  }
0x21e: {  	_ =	sfence.sel $0x180000  }
0x21f: {  	[bflag:$0x0] =	sbarrier.arrive $0xFFFF  }
0x220: {  	p0 =	sne.s32 s0, $0x0;
	_ =	strace $0x90000047  }
0x221: {  	s0 =	sadd.s32 @!p0 $0x100000, s1;
	[bflag:$0x2] =	sbarrier.arrive $0xFFFF  }
0x222: {  	[sflag:s0] =	ssyncadd.tile.s32 @!p0 $0x1;
	_ =	shalt  }
.Lfunc_end2:
_tile_overlayer_lowered:
.L_overlay_start_2:
0x223: {  	(tag) =	ssettag $0x2  }
0x224: {  	s0 =	rddreg [dreg:$0x0];
	s2 =	stileid.u32  }
0x225: {  	s1 =	rddreg [dreg:$0x1];
	p0 =	sne.s32 s2, $0x0  }
0x226: {  	s3 =	rddreg [dreg:$0x2];
	[bflag:$0x3] =	sbarrier.arrive $0xFFFF;
	s2 =	simm.s32 @!p0 $0x1C02  }
0x227: {  	[timem:s3], [sflag:s2] =	dma.local @!p0 [hbm:s0], s1  }
0x228: {  	s0 =	simm.s32 @!p0 $0x2  }
0x229: {  	_ =	swait.ge @!p0 [sflag:s0], s1  }
0x22a: {  	s1 =	ssub.s32 @!p0 $0x0, s1;
	[sflag:s0] =	ssyncset.done @!p0 $0x0  }
0x22b: {  	[sflag:s0] =	ssyncadd.s32 @!p0 s1  }
0x22c: {  	[bflag:$0x3] =	sbarrier.arrive $0xFFFF  }
0x22d: {  	_ =	shalt  }

</sc_bundles>
